<compile_context>
chip_gen: v7x
topology: tpu7x:2x2x1
jax: 0.10.2.dev20260603
libtpu: 0.0.44.dev20260713+nightly
codegen_flags: <defaults>
</compile_context>

<pallas_src>
import functools
import numpy as np
import jax
import jax.numpy as jnp
from jax import lax
from jax.experimental import pallas as pl
from jax.experimental.pallas import tpu as pltpu
from jax.experimental.pallas import tpu_sc as plsc

Z = 32
KC = 1024

_ROWS_PER_BLOCK = 16



def _argmax_body(xt_ref, locs_ref, logits_ref, idx_ref):
    locs = locs_ref[...]
    logits = logits_ref[...]
    m2 = jnp.sum(locs * locs, axis=1, keepdims=True)
    bias = (-0.5) * m2 + float(Z) * logits
    pieces = []
    for r in range(xt_ref.shape[0]):
        xt = xt_ref[r]
        s = lax.dot_general(
            locs, xt, (((1,), (0,)), ((), ())),
            preferred_element_type=jnp.float32)
        s = s + bias
        mx = jnp.max(s, axis=0)
        kio = lax.broadcasted_iota(jnp.int32, s.shape, 0).astype(jnp.float32)
        cand = jnp.where(s == mx[None, :], kio, float(KC))
        pieces.append(jnp.min(cand, axis=0).astype(jnp.int32))
    idx_ref[...] = jnp.concatenate(pieces, axis=0)


def _compute_idx(xt, locs, logits):
    b, zd, hw = xt.shape
    r = _ROWS_PER_BLOCK
    return pl.pallas_call(
        _argmax_body,
        grid=(b // r,),
        in_specs=[
            pl.BlockSpec((r, zd, hw), lambda i: (i, 0, 0)),
            pl.BlockSpec((KC, zd), lambda i: (0, 0)),
            pl.BlockSpec((KC, 1), lambda i: (0, 0)),
        ],
        out_specs=pl.BlockSpec((r * hw,), lambda i: (i,)),
        out_shape=jax.ShapeDtypeStruct((b * hw,), jnp.int32),
    )(xt, locs, logits[:, None])



def _make_sc_gather(b_total, d):
    info = plsc.get_sparse_core_info()
    nc, ns = info.num_cores, info.num_subcores
    nw = nc * ns
    assert b_total % (8 * nw) == 0
    b_per_w = b_total // nw
    mesh = plsc.VectorSubcoreMesh(core_axis_name="c", subcore_axis_name="s")

    @functools.partial(
        pl.kernel,
        mesh=mesh,
        out_type=jax.ShapeDtypeStruct((b_total, d), jnp.float32),
        scratch_types=[
            pltpu.VMEM((b_per_w,), jnp.int32),
            pltpu.VMEM((b_per_w,), jnp.int32),
            pltpu.VMEM((b_per_w, d), jnp.float32),
            pltpu.VMEM_SHARED((KC, d), jnp.float32),
            pltpu.VMEM_SHARED((b_total,), jnp.int32),
            pltpu.SemaphoreType.DMA,
        ],
        compiler_params=pltpu.CompilerParams(use_tc_tiling_on_sc=False),
    )
    def gather_kernel(table_hbm, idx_hbm, perm_hbm, out_hbm,
                      perm_v, idxp_v, rows_v, table_sh, idx_sh, sem):
        cid = lax.axis_index("c")
        sid = lax.axis_index("s")
        wid = sid * nc + cid
        base = wid * b_per_w

        @pl.when(sid == 0)
        def _():
            pltpu.sync_copy(table_hbm, table_sh)
            pltpu.sync_copy(idx_hbm, idx_sh)

        pltpu.sync_copy(perm_hbm.at[pl.ds(base, b_per_w)], perm_v)
        plsc.subcore_barrier()
        pltpu.async_copy(idx_sh.at[perm_v], idxp_v, sem).wait()
        pltpu.async_copy(table_sh.at[idxp_v], rows_v, sem).wait()
        pltpu.sync_copy(rows_v, out_hbm.at[pl.ds(base, b_per_w)])

    return gather_kernel



_EPI_BATCH = 8


def _epilogue_body(in_ref, out_ref):
    rows = in_ref.shape[0] // _EPI_BATCH
    for g in range(_EPI_BATCH):
        x4 = in_ref[pl.ds(g * rows, rows), :]
        parts = [x4[:, 32 * m:32 * (m + 1)].T for m in range(4)]
        out_ref[g] = jnp.concatenate(parts, axis=1)


def _epilogue(out_v, b, hw, zd):
    rows = hw // 4
    g = _EPI_BATCH
    return pl.pallas_call(
        _epilogue_body,
        grid=(b // g,),
        in_specs=[pl.BlockSpec((rows * g, 128), lambda i: (i, 0))],
        out_specs=pl.BlockSpec((g, zd, hw), lambda i: (i, 0, 0)),
        out_shape=jax.ShapeDtypeStruct((b, zd, hw), jnp.float32),
    )(out_v)



def kernel(x, locs, logits):
    b, hw, zd = x.shape
    xt = jnp.swapaxes(x, 1, 2)
    idx = _compute_idx(xt, locs, logits)
    pw = jnp.arange(hw, dtype=jnp.int32)
    perm = ((hw // 4) * (pw % 4) + pw // 4)[None, :] + (
        jnp.arange(b, dtype=jnp.int32) * hw)[:, None]
    out2d = _make_sc_gather(b * hw, zd)(locs, idx, perm.reshape(-1))
    out_t = _epilogue(out2d.reshape(b * hw * zd // 128, 128), b, hw, zd)
    return jnp.swapaxes(out_t, 1, 2)

# --- scband reference (transcript-rebuilt; emitter-appended) ---
"""Pipeline reference for scband-mixture-prior-63041529970783 (READ-ONLY COPY).

The authoritative reference and input builder live on the scoring server;
editing this copy changes nothing except your own understanding.
"""

import jax, jax.numpy as jnp
import numpy as np

Z_DIM = 32
K = 1024

def setup_inputs(seed: int = 0) -> dict:
    key = jax.random.key(seed)
    k1, k2 = jax.random.split(key)
    x = jax.random.normal(k1, (16, 1024, Z_DIM), dtype=jnp.float32)
    # Parameter init: init.normal_(self.locs, std=sqrt(z_dim))
    locs = jax.random.normal(k2, (K, Z_DIM), dtype=jnp.float32) * np.sqrt(Z_DIM)
    # logits_mode='maxent' -> zero buffer
    logits = jnp.zeros((K,), dtype=jnp.float32)
    return {"x": x, "locs": locs, "logits": logits}

def _weighted_log_prob(x, locs, logits):
    # NormalKernel: independent Normal(loc=locs, scale=sqrt(z_dim)), log_prob summed over z_dim
    scale = np.sqrt(Z_DIM)
    x2 = jnp.sum(x * x, axis=-1, keepdims=True)          # [..., 1]
    m2 = jnp.sum(locs * locs, axis=-1)                    # [K]
    xm = jnp.einsum('...d,kd->...k', x, locs)             # [..., K]
    sq = x2 - 2.0 * xm + m2                               # ||x - mu||^2, [..., K]
    comp_lp = -0.5 * sq / (scale ** 2) - Z_DIM * (np.log(scale) + 0.5 * np.log(2.0 * np.pi))
    # D.Categorical(logits=logits).logits is normalized (log_softmax)
    mix_logits = jax.nn.log_softmax(logits)
    return comp_lp + mix_logits                           # [..., K]

def reference(x, locs, logits):
    # hard_quantize(x): locs[argmax_k weighted_log_prob(x)]
    wlp = _weighted_log_prob(x, locs, logits)
    idx = jnp.argmax(wlp, axis=-1)                        # [B, HW]
    return jnp.take(locs, idx, axis=0)                    # [B, HW, z_dim]

if __name__ == "__main__":
    import jax
    _d = setup_inputs()
    print(jax.jit(kernel)(*tuple(_d.values())))

</pallas_src>

<mosaic_0001>
#map = affine_map<(d0, d1) -> (0, 0)>
#map1 = affine_map<(d0, d1) -> (0)>
module attributes {stable_mosaic.version = 14 : i64} {
  func.func @gather_kernel(%arg0: i32, %arg1: i32, %arg2: memref<1024x32xf32, #tpu.memory_space<hbm>>, %arg3: memref<16384xi32, #tpu.memory_space<hbm>>, %arg4: memref<16384xi32, #tpu.memory_space<hbm>>, %arg5: memref<16384x32xf32, #tpu.memory_space<hbm>>, %arg6: memref<512xi32, #tpu.memory_space<vmem>>, %arg7: memref<512xi32, #tpu.memory_space<vmem>>, %arg8: memref<512x32xf32, #tpu.memory_space<vmem>>, %arg9: memref<1024x32xf32, #tpu.memory_space<vmem_shared>>, %arg10: memref<16384xi32, #tpu.memory_space<vmem_shared>>, %arg11: memref<!tpu.dma_semaphore, #tpu.memory_space<semaphore_mem>>) attributes {dimension_semantics = [#tpu.dimension_semantics<core_parallel>, #tpu.dimension_semantics<subcore_parallel>], iteration_bounds = array<i64: 2, 16>, scalar_prefetch = 0 : i64, scratch_operands = 6 : i64, tpu.core_type = #tpu.core_type<sc_vector_subcore>, window_params = [{transform_indices = #map}, {transform_indices = #map1}, {transform_indices = #map1}, {transform_indices = #map}]} {
    %mul3A = arith.constant 2 : i32
    %mul3A_0 = arith.muli %arg1, %mul3A : i32
    %add3A = arith.addi %mul3A_0, %arg0 : i32
    %mul3A_1 = arith.constant 512 : i32
    %mul3A_2 = arith.muli %add3A, %mul3A_1 : i32
    %eq3A = arith.constant 0 : i32
    %eq3A_3 = arith.cmpi eq, %arg1, %eq3A : i32
    %convert_element_type3A = arith.extui %eq3A_3 : i1 to i32
    %cond3A = arith.constant 0 : i32
    %cond3A_4 = arith.cmpi ne, %convert_element_type3A, %cond3A : i32
    scf.if %cond3A_4 {
      "tpu.region"() ({
        %run_scoped3A = tpu.sem_alloc : memref<!tpu.dma_semaphore, #tpu.memory_space<semaphore_mem>>
        tpu.enqueue_dma source(%arg2 : memref<1024x32xf32, #tpu.memory_space<hbm>>) target(%arg9 : memref<1024x32xf32, #tpu.memory_space<vmem_shared>>) target_semaphore(%run_scoped3A : memref<!tpu.dma_semaphore, #tpu.memory_space<semaphore_mem>>)
        tpu.wait_dma2 semaphore(%run_scoped3A : memref<!tpu.dma_semaphore, #tpu.memory_space<semaphore_mem>>) src(%arg2 : memref<1024x32xf32, #tpu.memory_space<hbm>>) dst(%arg9 : memref<1024x32xf32, #tpu.memory_space<vmem_shared>>)
        tpu.yield
      }) : () -> ()
      "tpu.region"() ({
        %run_scoped3A = tpu.sem_alloc : memref<!tpu.dma_semaphore, #tpu.memory_space<semaphore_mem>>
        tpu.enqueue_dma source(%arg3 : memref<16384xi32, #tpu.memory_space<hbm>>) target(%arg10 : memref<16384xi32, #tpu.memory_space<vmem_shared>>) target_semaphore(%run_scoped3A : memref<!tpu.dma_semaphore, #tpu.memory_space<semaphore_mem>>)
        tpu.wait_dma2 semaphore(%run_scoped3A : memref<!tpu.dma_semaphore, #tpu.memory_space<semaphore_mem>>) src(%arg3 : memref<16384xi32, #tpu.memory_space<hbm>>) dst(%arg10 : memref<16384xi32, #tpu.memory_space<vmem_shared>>)
        tpu.yield
      }) : () -> ()
    } else {
    }
    "tpu.region"() ({
      %run_scoped3A = tpu.sem_alloc : memref<!tpu.dma_semaphore, #tpu.memory_space<semaphore_mem>>
      %dma_start3A_13 = tpu.memref_slice %arg4[%mul3A_2] : memref<16384xi32, #tpu.memory_space<hbm>> -> memref<512xi32, #tpu.memory_space<hbm>>
      %dma_start3A_14 = tpu.memref_slice %arg4[%mul3A_2] : memref<16384xi32, #tpu.memory_space<hbm>> -> memref<512xi32, #tpu.memory_space<hbm>>
      tpu.enqueue_dma source(%dma_start3A_14 : memref<512xi32, #tpu.memory_space<hbm>>) target(%arg6 : memref<512xi32, #tpu.memory_space<vmem>>) target_semaphore(%run_scoped3A : memref<!tpu.dma_semaphore, #tpu.memory_space<semaphore_mem>>)
      %dma_wait3A_15 = tpu.memref_slice %arg4[%mul3A_2] : memref<16384xi32, #tpu.memory_space<hbm>> -> memref<512xi32, #tpu.memory_space<hbm>>
      %dma_wait3A_16 = tpu.memref_slice %arg4[%mul3A_2] : memref<16384xi32, #tpu.memory_space<hbm>> -> memref<512xi32, #tpu.memory_space<hbm>>
      tpu.wait_dma2 semaphore(%run_scoped3A : memref<!tpu.dma_semaphore, #tpu.memory_space<semaphore_mem>>) src(%dma_wait3A_16 : memref<512xi32, #tpu.memory_space<hbm>>) dst(%arg6 : memref<512xi32, #tpu.memory_space<vmem>>)
      tpu.yield
    }) : () -> ()
    %barrier3A = arith.constant 0 : index
    tpu.barrier barrier_id(%barrier3A)
    %dma_start3A = arith.constant 0 : i32
    %dma_start3A_5 = tpu.memref_slice %arg10[%dma_start3A] : memref<16384xi32, #tpu.memory_space<vmem_shared>> -> memref<16384xi32, #tpu.memory_space<vmem_shared>>
    tpu.enqueue_indirect_dma source(%dma_start3A_5 : memref<16384xi32, #tpu.memory_space<vmem_shared>>) target(%arg7 : memref<512xi32, #tpu.memory_space<vmem>>) offsets(%arg6 : memref<512xi32, #tpu.memory_space<vmem>>) semaphore(%arg11 : memref<!tpu.dma_semaphore, #tpu.memory_space<semaphore_mem>>)
    %dma_wait3A = arith.constant 0 : i32
    %dma_wait3A_6 = tpu.memref_slice %arg10[%dma_wait3A] : memref<16384xi32, #tpu.memory_space<vmem_shared>> -> memref<16384xi32, #tpu.memory_space<vmem_shared>>
    tpu.wait_indirect_dma semaphore(%arg11 : memref<!tpu.dma_semaphore, #tpu.memory_space<semaphore_mem>>) src(%dma_wait3A_6 : memref<16384xi32, #tpu.memory_space<vmem_shared>>) dst(%arg7 : memref<512xi32, #tpu.memory_space<vmem>>)
    %dma_start3A_7 = arith.constant 0 : i32
    %dma_start3A_8 = arith.constant 0 : i32
    %dma_start3A_9 = tpu.memref_slice %arg9[%dma_start3A_7, %dma_start3A_8] : memref<1024x32xf32, #tpu.memory_space<vmem_shared>> -> memref<1024x32xf32, #tpu.memory_space<vmem_shared>>
    tpu.enqueue_indirect_dma source(%dma_start3A_9 : memref<1024x32xf32, #tpu.memory_space<vmem_shared>>) target(%arg8 : memref<512x32xf32, #tpu.memory_space<vmem>>) offsets(%arg7 : memref<512xi32, #tpu.memory_space<vmem>>) semaphore(%arg11 : memref<!tpu.dma_semaphore, #tpu.memory_space<semaphore_mem>>)
    %dma_wait3A_10 = arith.constant 0 : i32
    %dma_wait3A_11 = arith.constant 0 : i32
    %dma_wait3A_12 = tpu.memref_slice %arg9[%dma_wait3A_10, %dma_wait3A_11] : memref<1024x32xf32, #tpu.memory_space<vmem_shared>> -> memref<1024x32xf32, #tpu.memory_space<vmem_shared>>
    tpu.wait_indirect_dma semaphore(%arg11 : memref<!tpu.dma_semaphore, #tpu.memory_space<semaphore_mem>>) src(%dma_wait3A_12 : memref<1024x32xf32, #tpu.memory_space<vmem_shared>>) dst(%arg8 : memref<512x32xf32, #tpu.memory_space<vmem>>)
    "tpu.region"() ({
      %run_scoped3A = tpu.sem_alloc : memref<!tpu.dma_semaphore, #tpu.memory_space<semaphore_mem>>
      %dma_start3A_13 = arith.constant 0 : i32
      %dma_start3A_14 = tpu.memref_slice %arg5[%mul3A_2, %dma_start3A_13] : memref<16384x32xf32, #tpu.memory_space<hbm>> -> memref<512x32xf32, #tpu.memory_space<hbm>>
      %dma_start3A_15 = arith.constant 0 : i32
      %dma_start3A_16 = tpu.memref_slice %arg5[%mul3A_2, %dma_start3A_15] : memref<16384x32xf32, #tpu.memory_space<hbm>> -> memref<512x32xf32, #tpu.memory_space<hbm>>
      tpu.enqueue_dma source(%arg8 : memref<512x32xf32, #tpu.memory_space<vmem>>) target(%dma_start3A_16 : memref<512x32xf32, #tpu.memory_space<hbm>>) target_semaphore(%run_scoped3A : memref<!tpu.dma_semaphore, #tpu.memory_space<semaphore_mem>>)
      %dma_wait3A_17 = arith.constant 0 : i32
      %dma_wait3A_18 = tpu.memref_slice %arg5[%mul3A_2, %dma_wait3A_17] : memref<16384x32xf32, #tpu.memory_space<hbm>> -> memref<512x32xf32, #tpu.memory_space<hbm>>
      %dma_wait3A_19 = arith.constant 0 : i32
      %dma_wait3A_20 = tpu.memref_slice %arg5[%mul3A_2, %dma_wait3A_19] : memref<16384x32xf32, #tpu.memory_space<hbm>> -> memref<512x32xf32, #tpu.memory_space<hbm>>
      tpu.wait_dma2 semaphore(%run_scoped3A : memref<!tpu.dma_semaphore, #tpu.memory_space<semaphore_mem>>) src(%arg8 : memref<512x32xf32, #tpu.memory_space<vmem>>) dst(%dma_wait3A_20 : memref<512x32xf32, #tpu.memory_space<hbm>>)
      tpu.yield
    }) : () -> ()
    return
  }
}

module attributes {stable_mosaic.version = 14 : i64} {
  func.func @_epilogue_body(%arg0: i32, %arg1: memref<2048x128xf32, #tpu.memory_space<vmem>>, %arg2: memref<8x32x1024xf32, #tpu.memory_space<vmem>>) attributes {dimension_semantics = [#tpu.dimension_semantics<arbitrary>], iteration_bounds = array<i64: 2>, scalar_prefetch = 0 : i64, scratch_operands = 0 : i64, tpu.core_type = #tpu.core_type<tc>, window_params = [{transform_indices = @transform_0, window_bounds = array<i64: 2048, 128>}, {transform_indices = @transform_1, window_bounds = array<i64: 8, 32, 1024>}]} {
    %get3A = arith.constant 0 : index
    %get3A_0 = arith.constant 0 : index
    %get3A_1 = vector.load %arg1[%get3A, %get3A_0] : memref<2048x128xf32, #tpu.memory_space<vmem>>, vector<256x128xf32>
    %slice3A = vector.extract_strided_slice %get3A_1 {offsets = [0, 0], sizes = [256, 32], strides = [1, 1]} : vector<256x128xf32> to vector<256x32xf32>
    %transpose3A = tpu.transpose %slice3A, [1, 0] : vector<256x32xf32> -> vector<32x256xf32>
    %slice3A_2 = vector.extract_strided_slice %get3A_1 {offsets = [0, 32], sizes = [256, 32], strides = [1, 1]} : vector<256x128xf32> to vector<256x32xf32>
    %transpose3A_3 = tpu.transpose %slice3A_2, [1, 0] : vector<256x32xf32> -> vector<32x256xf32>
    %slice3A_4 = vector.extract_strided_slice %get3A_1 {offsets = [0, 64], sizes = [256, 32], strides = [1, 1]} : vector<256x128xf32> to vector<256x32xf32>
    %transpose3A_5 = tpu.transpose %slice3A_4, [1, 0] : vector<256x32xf32> -> vector<32x256xf32>
    %slice3A_6 = vector.extract_strided_slice %get3A_1 {offsets = [0, 96], sizes = [256, 32], strides = [1, 1]} : vector<256x128xf32> to vector<256x32xf32>
    %transpose3A_7 = tpu.transpose %slice3A_6, [1, 0] : vector<256x32xf32> -> vector<32x256xf32>
    %concatenate3A = tpu.concatenate %transpose3A, %transpose3A_3, %transpose3A_5, %transpose3A_7 in 1 : vector<32x256xf32>, vector<32x256xf32>, vector<32x256xf32>, vector<32x256xf32> -> vector<32x1024xf32>
    %swap3A = arith.constant 0 : index
    %swap3A_8 = arith.constant 0 : index
    %swap3A_9 = arith.constant 0 : index
    %swap3A_10 = vector.load %arg2[%swap3A, %swap3A_8, %swap3A_9] : memref<8x32x1024xf32, #tpu.memory_space<vmem>>, vector<1x32x1024xf32>
    %swap3A_11 = vector.shape_cast %swap3A_10 : vector<1x32x1024xf32> to vector<32x1024xf32>
    %swap3A_12 = vector.shape_cast %concatenate3A : vector<32x1024xf32> to vector<1x32x1024xf32>
    tpu.vector_store %arg2[%swap3A, %swap3A_8, %swap3A_9], %swap3A_12 {strides = array<i32>} : memref<8x32x1024xf32, #tpu.memory_space<vmem>>, vector<1x32x1024xf32>,
    %get3A_13 = arith.constant 256 : index
    %get3A_14 = arith.constant 0 : index
    %get3A_15 = vector.load %arg1[%get3A_13, %get3A_14] : memref<2048x128xf32, #tpu.memory_space<vmem>>, vector<256x128xf32>
    %slice3A_16 = vector.extract_strided_slice %get3A_15 {offsets = [0, 0], sizes = [256, 32], strides = [1, 1]} : vector<256x128xf32> to vector<256x32xf32>
    %transpose3A_17 = tpu.transpose %slice3A_16, [1, 0] : vector<256x32xf32> -> vector<32x256xf32>
    %slice3A_18 = vector.extract_strided_slice %get3A_15 {offsets = [0, 32], sizes = [256, 32], strides = [1, 1]} : vector<256x128xf32> to vector<256x32xf32>
    %transpose3A_19 = tpu.transpose %slice3A_18, [1, 0] : vector<256x32xf32> -> vector<32x256xf32>
    %slice3A_20 = vector.extract_strided_slice %get3A_15 {offsets = [0, 64], sizes = [256, 32], strides = [1, 1]} : vector<256x128xf32> to vector<256x32xf32>
    %transpose3A_21 = tpu.transpose %slice3A_20, [1, 0] : vector<256x32xf32> -> vector<32x256xf32>
    %slice3A_22 = vector.extract_strided_slice %get3A_15 {offsets = [0, 96], sizes = [256, 32], strides = [1, 1]} : vector<256x128xf32> to vector<256x32xf32>
    %transpose3A_23 = tpu.transpose %slice3A_22, [1, 0] : vector<256x32xf32> -> vector<32x256xf32>
    %concatenate3A_24 = tpu.concatenate %transpose3A_17, %transpose3A_19, %transpose3A_21, %transpose3A_23 in 1 : vector<32x256xf32>, vector<32x256xf32>, vector<32x256xf32>, vector<32x256xf32> -> vector<32x1024xf32>
    %swap3A_25 = arith.constant 1 : index
    %swap3A_26 = arith.constant 0 : index
    %swap3A_27 = arith.constant 0 : index
    %swap3A_28 = vector.load %arg2[%swap3A_25, %swap3A_26, %swap3A_27] : memref<8x32x1024xf32, #tpu.memory_space<vmem>>, vector<1x32x1024xf32>
    %swap3A_29 = vector.shape_cast %swap3A_28 : vector<1x32x1024xf32> to vector<32x1024xf32>
    %swap3A_30 = vector.shape_cast %concatenate3A_24 : vector<32x1024xf32> to vector<1x32x1024xf32>
    tpu.vector_store %arg2[%swap3A_25, %swap3A_26, %swap3A_27], %swap3A_30 {strides = array<i32>} : memref<8x32x1024xf32, #tpu.memory_space<vmem>>, vector<1x32x1024xf32>,
    %get3A_31 = arith.constant 512 : index
    %get3A_32 = arith.constant 0 : index
    %get3A_33 = vector.load %arg1[%get3A_31, %get3A_32] : memref<2048x128xf32, #tpu.memory_space<vmem>>, vector<256x128xf32>
    %slice3A_34 = vector.extract_strided_slice %get3A_33 {offsets = [0, 0], sizes = [256, 32], strides = [1, 1]} : vector<256x128xf32> to vector<256x32xf32>
    %transpose3A_35 = tpu.transpose %slice3A_34, [1, 0] : vector<256x32xf32> -> vector<32x256xf32>
    %slice3A_36 = vector.extract_strided_slice %get3A_33 {offsets = [0, 32], sizes = [256, 32], strides = [1, 1]} : vector<256x128xf32> to vector<256x32xf32>
    %transpose3A_37 = tpu.transpose %slice3A_36, [1, 0] : vector<256x32xf32> -> vector<32x256xf32>
    %slice3A_38 = vector.extract_strided_slice %get3A_33 {offsets = [0, 64], sizes = [256, 32], strides = [1, 1]} : vector<256x128xf32> to vector<256x32xf32>
    %transpose3A_39 = tpu.transpose %slice3A_38, [1, 0] : vector<256x32xf32> -> vector<32x256xf32>
    %slice3A_40 = vector.extract_strided_slice %get3A_33 {offsets = [0, 96], sizes = [256, 32], strides = [1, 1]} : vector<256x128xf32> to vector<256x32xf32>
    %transpose3A_41 = tpu.transpose %slice3A_40, [1, 0] : vector<256x32xf32> -> vector<32x256xf32>
    %concatenate3A_42 = tpu.concatenate %transpose3A_35, %transpose3A_37, %transpose3A_39, %transpose3A_41 in 1 : vector<32x256xf32>, vector<32x256xf32>, vector<32x256xf32>, vector<32x256xf32> -> vector<32x1024xf32>
    %swap3A_43 = arith.constant 2 : index
    %swap3A_44 = arith.constant 0 : index
    %swap3A_45 = arith.constant 0 : index
    %swap3A_46 = vector.load %arg2[%swap3A_43, %swap3A_44, %swap3A_45] : memref<8x32x1024xf32, #tpu.memory_space<vmem>>, vector<1x32x1024xf32>
    %swap3A_47 = vector.shape_cast %swap3A_46 : vector<1x32x1024xf32> to vector<32x1024xf32>
    %swap3A_48 = vector.shape_cast %concatenate3A_42 : vector<32x1024xf32> to vector<1x32x1024xf32>
    tpu.vector_store %arg2[%swap3A_43, %swap3A_44, %swap3A_45], %swap3A_48 {strides = array<i32>} : memref<8x32x1024xf32, #tpu.memory_space<vmem>>, vector<1x32x1024xf32>,
    %get3A_49 = arith.constant 768 : index
    %get3A_50 = arith.constant 0 : index
    %get3A_51 = vector.load %arg1[%get3A_49, %get3A_50] : memref<2048x128xf32, #tpu.memory_space<vmem>>, vector<256x128xf32>
    %slice3A_52 = vector.extract_strided_slice %get3A_51 {offsets = [0, 0], sizes = [256, 32], strides = [1, 1]} : vector<256x128xf32> to vector<256x32xf32>
    %transpose3A_53 = tpu.transpose %slice3A_52, [1, 0] : vector<256x32xf32> -> vector<32x256xf32>
    %slice3A_54 = vector.extract_strided_slice %get3A_51 {offsets = [0, 32], sizes = [256, 32], strides = [1, 1]} : vector<256x128xf32> to vector<256x32xf32>
    %transpose3A_55 = tpu.transpose %slice3A_54, [1, 0] : vector<256x32xf32> -> vector<32x256xf32>
    %slice3A_56 = vector.extract_strided_slice %get3A_51 {offsets = [0, 64], sizes = [256, 32], strides = [1, 1]} : vector<256x128xf32> to vector<256x32xf32>
    %transpose3A_57 = tpu.transpose %slice3A_56, [1, 0] : vector<256x32xf32> -> vector<32x256xf32>
    %slice3A_58 = vector.extract_strided_slice %get3A_51 {offsets = [0, 96], sizes = [256, 32], strides = [1, 1]} : vector<256x128xf32> to vector<256x32xf32>
    %transpose3A_59 = tpu.transpose %slice3A_58, [1, 0] : vector<256x32xf32> -> vector<32x256xf32>
    %concatenate3A_60 = tpu.concatenate %transpose3A_53, %transpose3A_55, %transpose3A_57, %transpose3A_59 in 1 : vector<32x256xf32>, vector<32x256xf32>, vector<32x256xf32>, vector<32x256xf32> -> vector<32x1024xf32>
    %swap3A_61 = arith.constant 3 : index
    %swap3A_62 = arith.constant 0 : index
    %swap3A_63 = arith.constant 0 : index
    %swap3A_64 = vector.load %arg2[%swap3A_61, %swap3A_62, %swap3A_63] : memref<8x32x1024xf32, #tpu.memory_space<vmem>>, vector<1x32x1024xf32>
    %swap3A_65 = vector.shape_cast %swap3A_64 : vector<1x32x1024xf32> to vector<32x1024xf32>
    %swap3A_66 = vector.shape_cast %concatenate3A_60 : vector<32x1024xf32> to vector<1x32x1024xf32>
    tpu.vector_store %arg2[%swap3A_61, %swap3A_62, %swap3A_63], %swap3A_66 {strides = array<i32>} : memref<8x32x1024xf32, #tpu.memory_space<vmem>>, vector<1x32x1024xf32>,
    %get3A_67 = arith.constant 1024 : index
    %get3A_68 = arith.constant 0 : index
    %get3A_69 = vector.load %arg1[%get3A_67, %get3A_68] : memref<2048x128xf32, #tpu.memory_space<vmem>>, vector<256x128xf32>
    %slice3A_70 = vector.extract_strided_slice %get3A_69 {offsets = [0, 0], sizes = [256, 32], strides = [1, 1]} : vector<256x128xf32> to vector<256x32xf32>
    %transpose3A_71 = tpu.transpose %slice3A_70, [1, 0] : vector<256x32xf32> -> vector<32x256xf32>
    %slice3A_72 = vector.extract_strided_slice %get3A_69 {offsets = [0, 32], sizes = [256, 32], strides = [1, 1]} : vector<256x128xf32> to vector<256x32xf32>
    %transpose3A_73 = tpu.transpose %slice3A_72, [1, 0] : vector<256x32xf32> -> vector<32x256xf32>
    %slice3A_74 = vector.extract_strided_slice %get3A_69 {offsets = [0, 64], sizes = [256, 32], strides = [1, 1]} : vector<256x128xf32> to vector<256x32xf32>
    %transpose3A_75 = tpu.transpose %slice3A_74, [1, 0] : vector<256x32xf32> -> vector<32x256xf32>
    %slice3A_76 = vector.extract_strided_slice %get3A_69 {offsets = [0, 96], sizes = [256, 32], strides = [1, 1]} : vector<256x128xf32> to vector<256x32xf32>
    %transpose3A_77 = tpu.transpose %slice3A_76, [1, 0] : vector<256x32xf32> -> vector<32x256xf32>
    %concatenate3A_78 = tpu.concatenate %transpose3A_71, %transpose3A_73, %transpose3A_75, %transpose3A_77 in 1 : vector<32x256xf32>, vector<32x256xf32>, vector<32x256xf32>, vector<32x256xf32> -> vector<32x1024xf32>
    %swap3A_79 = arith.constant 4 : index
    %swap3A_80 = arith.constant 0 : index
    %swap3A_81 = arith.constant 0 : index
    %swap3A_82 = vector.load %arg2[%swap3A_79, %swap3A_80, %swap3A_81] : memref<8x32x1024xf32, #tpu.memory_space<vmem>>, vector<1x32x1024xf32>
    %swap3A_83 = vector.shape_cast %swap3A_82 : vector<1x32x1024xf32> to vector<32x1024xf32>
    %swap3A_84 = vector.shape_cast %concatenate3A_78 : vector<32x1024xf32> to vector<1x32x1024xf32>
    tpu.vector_store %arg2[%swap3A_79, %swap3A_80, %swap3A_81], %swap3A_84 {strides = array<i32>} : memref<8x32x1024xf32, #tpu.memory_space<vmem>>, vector<1x32x1024xf32>,
    %get3A_85 = arith.constant 1280 : index
    %get3A_86 = arith.constant 0 : index
    %get3A_87 = vector.load %arg1[%get3A_85, %get3A_86] : memref<2048x128xf32, #tpu.memory_space<vmem>>, vector<256x128xf32>
    %slice3A_88 = vector.extract_strided_slice %get3A_87 {offsets = [0, 0], sizes = [256, 32], strides = [1, 1]} : vector<256x128xf32> to vector<256x32xf32>
    %transpose3A_89 = tpu.transpose %slice3A_88, [1, 0] : vector<256x32xf32> -> vector<32x256xf32>
    %slice3A_90 = vector.extract_strided_slice %get3A_87 {offsets = [0, 32], sizes = [256, 32], strides = [1, 1]} : vector<256x128xf32> to vector<256x32xf32>
    %transpose3A_91 = tpu.transpose %slice3A_90, [1, 0] : vector<256x32xf32> -> vector<32x256xf32>
    %slice3A_92 = vector.extract_strided_slice %get3A_87 {offsets = [0, 64], sizes = [256, 32], strides = [1, 1]} : vector<256x128xf32> to vector<256x32xf32>
    %transpose3A_93 = tpu.transpose %slice3A_92, [1, 0] : vector<256x32xf32> -> vector<32x256xf32>
    %slice3A_94 = vector.extract_strided_slice %get3A_87 {offsets = [0, 96], sizes = [256, 32], strides = [1, 1]} : vector<256x128xf32> to vector<256x32xf32>
    %transpose3A_95 = tpu.transpose %slice3A_94, [1, 0] : vector<256x32xf32> -> vector<32x256xf32>
    %concatenate3A_96 = tpu.concatenate %transpose3A_89, %transpose3A_91, %transpose3A_93, %transpose3A_95 in 1 : vector<32x256xf32>, vector<32x256xf32>, vector<32x256xf32>, vector<32x256xf32> -> vector<32x1024xf32>
    %swap3A_97 = arith.constant 5 : index
    %swap3A_98 = arith.constant 0 : index
    %swap3A_99 = arith.constant 0 : index
    %swap3A_100 = vector.load %arg2[%swap3A_97, %swap3A_98, %swap3A_99] : memref<8x32x1024xf32, #tpu.memory_space<vmem>>, vector<1x32x1024xf32>
    %swap3A_101 = vector.shape_cast %swap3A_100 : vector<1x32x1024xf32> to vector<32x1024xf32>
    %swap3A_102 = vector.shape_cast %concatenate3A_96 : vector<32x1024xf32> to vector<1x32x1024xf32>
    tpu.vector_store %arg2[%swap3A_97, %swap3A_98, %swap3A_99], %swap3A_102 {strides = array<i32>} : memref<8x32x1024xf32, #tpu.memory_space<vmem>>, vector<1x32x1024xf32>,
    %get3A_103 = arith.constant 1536 : index
    %get3A_104 = arith.constant 0 : index
    %get3A_105 = vector.load %arg1[%get3A_103, %get3A_104] : memref<2048x128xf32, #tpu.memory_space<vmem>>, vector<256x128xf32>
    %slice3A_106 = vector.extract_strided_slice %get3A_105 {offsets = [0, 0], sizes = [256, 32], strides = [1, 1]} : vector<256x128xf32> to vector<256x32xf32>
    %transpose3A_107 = tpu.transpose %slice3A_106, [1, 0] : vector<256x32xf32> -> vector<32x256xf32>
    %slice3A_108 = vector.extract_strided_slice %get3A_105 {offsets = [0, 32], sizes = [256, 32], strides = [1, 1]} : vector<256x128xf32> to vector<256x32xf32>
    %transpose3A_109 = tpu.transpose %slice3A_108, [1, 0] : vector<256x32xf32> -> vector<32x256xf32>
    %slice3A_110 = vector.extract_strided_slice %get3A_105 {offsets = [0, 64], sizes = [256, 32], strides = [1, 1]} : vector<256x128xf32> to vector<256x32xf32>
    %transpose3A_111 = tpu.transpose %slice3A_110, [1, 0] : vector<256x32xf32> -> vector<32x256xf32>
    %slice3A_112 = vector.extract_strided_slice %get3A_105 {offsets = [0, 96], sizes = [256, 32], strides = [1, 1]} : vector<256x128xf32> to vector<256x32xf32>
    %transpose3A_113 = tpu.transpose %slice3A_112, [1, 0] : vector<256x32xf32> -> vector<32x256xf32>
    %concatenate3A_114 = tpu.concatenate %transpose3A_107, %transpose3A_109, %transpose3A_111, %transpose3A_113 in 1 : vector<32x256xf32>, vector<32x256xf32>, vector<32x256xf32>, vector<32x256xf32> -> vector<32x1024xf32>
    %swap3A_115 = arith.constant 6 : index
    %swap3A_116 = arith.constant 0 : index
    %swap3A_117 = arith.constant 0 : index
    %swap3A_118 = vector.load %arg2[%swap3A_115, %swap3A_116, %swap3A_117] : memref<8x32x1024xf32, #tpu.memory_space<vmem>>, vector<1x32x1024xf32>
    %swap3A_119 = vector.shape_cast %swap3A_118 : vector<1x32x1024xf32> to vector<32x1024xf32>
    %swap3A_120 = vector.shape_cast %concatenate3A_114 : vector<32x1024xf32> to vector<1x32x1024xf32>
    tpu.vector_store %arg2[%swap3A_115, %swap3A_116, %swap3A_117], %swap3A_120 {strides = array<i32>} : memref<8x32x1024xf32, #tpu.memory_space<vmem>>, vector<1x32x1024xf32>,
    %get3A_121 = arith.constant 1792 : index
    %get3A_122 = arith.constant 0 : index
    %get3A_123 = vector.load %arg1[%get3A_121, %get3A_122] : memref<2048x128xf32, #tpu.memory_space<vmem>>, vector<256x128xf32>
    %slice3A_124 = vector.extract_strided_slice %get3A_123 {offsets = [0, 0], sizes = [256, 32], strides = [1, 1]} : vector<256x128xf32> to vector<256x32xf32>
    %transpose3A_125 = tpu.transpose %slice3A_124, [1, 0] : vector<256x32xf32> -> vector<32x256xf32>
    %slice3A_126 = vector.extract_strided_slice %get3A_123 {offsets = [0, 32], sizes = [256, 32], strides = [1, 1]} : vector<256x128xf32> to vector<256x32xf32>
    %transpose3A_127 = tpu.transpose %slice3A_126, [1, 0] : vector<256x32xf32> -> vector<32x256xf32>
    %slice3A_128 = vector.extract_strided_slice %get3A_123 {offsets = [0, 64], sizes = [256, 32], strides = [1, 1]} : vector<256x128xf32> to vector<256x32xf32>
    %transpose3A_129 = tpu.transpose %slice3A_128, [1, 0] : vector<256x32xf32> -> vector<32x256xf32>
    %slice3A_130 = vector.extract_strided_slice %get3A_123 {offsets = [0, 96], sizes = [256, 32], strides = [1, 1]} : vector<256x128xf32> to vector<256x32xf32>
    %transpose3A_131 = tpu.transpose %slice3A_130, [1, 0] : vector<256x32xf32> -> vector<32x256xf32>
    %concatenate3A_132 = tpu.concatenate %transpose3A_125, %transpose3A_127, %transpose3A_129, %transpose3A_131 in 1 : vector<32x256xf32>, vector<32x256xf32>, vector<32x256xf32>, vector<32x256xf32> -> vector<32x1024xf32>
    %swap3A_133 = arith.constant 7 : index
    %swap3A_134 = arith.constant 0 : index
    %swap3A_135 = arith.constant 0 : index
    %swap3A_136 = vector.load %arg2[%swap3A_133, %swap3A_134, %swap3A_135] : memref<8x32x1024xf32, #tpu.memory_space<vmem>>, vector<1x32x1024xf32>
    %swap3A_137 = vector.shape_cast %swap3A_136 : vector<1x32x1024xf32> to vector<32x1024xf32>
    %swap3A_138 = vector.shape_cast %concatenate3A_132 : vector<32x1024xf32> to vector<1x32x1024xf32>
    tpu.vector_store %arg2[%swap3A_133, %swap3A_134, %swap3A_135], %swap3A_138 {strides = array<i32>} : memref<8x32x1024xf32, #tpu.memory_space<vmem>>, vector<1x32x1024xf32>,
    return
  }
  func.func @transform_0(%arg0: i32) -> (i32, i32) {
    %c0_i32 = arith.constant 0 : i32
    %c0_i32_0 = arith.constant 0 : i32
    return %arg0, %c0_i32 : i32, i32
  }
  func.func @transform_1(%arg0: i32) -> (i32, i32, i32) {
    %c0_i32 = arith.constant 0 : i32
    %c0_i32_0 = arith.constant 0 : i32
    %c0_i32_1 = arith.constant 0 : i32
    return %arg0, %c0_i32, %c0_i32_0 : i32, i32, i32
  }
}

module attributes {stable_mosaic.version = 14 : i64} {
  func.func @_argmax_body(%arg0: i32, %arg1: memref<16x32x1024xf32, #tpu.memory_space<vmem>>, %arg2: memref<1024x32xf32, #tpu.memory_space<vmem>>, %arg3: memref<1024x1xf32, #tpu.memory_space<vmem>>, %arg4: memref<16384xi32, #tpu.memory_space<vmem>>) attributes {dimension_semantics = [#tpu.dimension_semantics<arbitrary>], iteration_bounds = array<i64: 1>, scalar_prefetch = 0 : i64, scratch_operands = 0 : i64, tpu.core_type = #tpu.core_type<tc>, window_params = [{transform_indices = @transform_0, window_bounds = array<i64: 16, 32, 1024>}, {pipeline_mode = #tpu.pipeline_mode<synchronous>, transform_indices = @transform_1, window_bounds = array<i64: 1024, 32>}, {pipeline_mode = #tpu.pipeline_mode<synchronous>, transform_indices = @transform_2, window_bounds = array<i64: 1024, 1>}, {transform_indices = @transform_3, window_bounds = array<i64: 16384>}]} {
    %get3A = arith.constant 0 : index
    %get3A_0 = arith.constant 0 : index
    %get3A_1 = vector.load %arg2[%get3A, %get3A_0] : memref<1024x32xf32, #tpu.memory_space<vmem>>, vector<1024x32xf32>
    %get3A_2 = arith.constant 0 : index
    %get3A_3 = arith.constant 0 : index
    %get3A_4 = vector.load %arg3[%get3A_2, %get3A_3] : memref<1024x1xf32, #tpu.memory_space<vmem>>, vector<1024x1xf32>
    %mul3A = arith.mulf %get3A_1, %get3A_1 : vector<1024x32xf32>
    %reduce_sum3A = arith.constant dense<0.000000e+00> : vector<1024xf32>
    %reduce_sum3A_5 = vector.multi_reduction <add>, %mul3A, %reduce_sum3A [1] : vector<1024x32xf32> to vector<1024xf32>
    %broadcast_in_dim3A = vector.shape_cast %reduce_sum3A_5 : vector<1024xf32> to vector<1024x1xf32>
    %mul3A_6 = arith.constant -5.000000e-01 : f32
    %mul3A_7 = vector.broadcast %mul3A_6 : f32 to vector<1024x1xf32>
    %mul3A_8 = arith.mulf %mul3A_7, %broadcast_in_dim3A : vector<1024x1xf32>
    %mul3A_9 = arith.constant 3.200000e+01 : f32
    %mul3A_10 = vector.broadcast %mul3A_9 : f32 to vector<1024x1xf32>
    %mul3A_11 = arith.mulf %mul3A_10, %get3A_4 : vector<1024x1xf32>
    %add3A = arith.addf %mul3A_8, %mul3A_11 : vector<1024x1xf32>
    %get3A_12 = arith.constant 0 : index
    %get3A_13 = arith.constant 0 : index
    %get3A_14 = arith.constant 0 : index
    %get3A_15 = vector.load %arg1[%get3A_12, %get3A_13, %get3A_14] : memref<16x32x1024xf32, #tpu.memory_space<vmem>>, vector<1x32x1024xf32>
    %get3A_16 = vector.shape_cast %get3A_15 : vector<1x32x1024xf32> to vector<32x1024xf32>
    %dot_general3A = arith.constant dense<0.000000e+00> : vector<1024x1024xf32>
    %dot_general3A_17 = tpu.matmul %get3A_1, %get3A_16, %dot_general3A {dimension_numbers = #tpu.dot_dimension_numbers<[1], [0], [0], [1], [0, 0, 1, 1], [], []>, transpose_lhs_hint = false} : vector<1024x32xf32>, vector<32x1024xf32>, vector<1024x1024xf32> -> vector<1024x1024xf32>
    %add3A_18 = vector.broadcast %add3A : vector<1024x1xf32> to vector<1024x1024xf32>
    %add3A_19 = arith.addf %dot_general3A_17, %add3A_18 : vector<1024x1024xf32>
    %reduce_max3A = arith.constant dense<0xFF800000> : vector<1024xf32>
    %reduce_max3A_20 = vector.multi_reduction <maximumf>, %add3A_19, %reduce_max3A [0] : vector<1024x1024xf32> to vector<1024xf32>
    %iota3A = tpu.iota {dimensions = array<i32: 0>} : vector<1024x1024xi32>
    %convert_element_type3A = arith.sitofp %iota3A : vector<1024x1024xi32> to vector<1024x1024xf32>
    %broadcast_in_dim3A_21 = vector.shape_cast %reduce_max3A_20 : vector<1024xf32> to vector<1x1024xf32>
    %eq3A = vector.broadcast %broadcast_in_dim3A_21 : vector<1x1024xf32> to vector<1024x1024xf32>
    %eq3A_22 = arith.cmpf oeq, %add3A_19, %eq3A : vector<1024x1024xf32>
    %jit3A = arith.constant 1.024000e+03 : f32
    %broadcast_in_dim3A_23 = vector.broadcast %jit3A : f32 to vector<1024x1024xf32>
    %select_n3A = arith.select %eq3A_22, %convert_element_type3A, %broadcast_in_dim3A_23 : vector<1024x1024xi1>, vector<1024x1024xf32>
    %reduce_min3A = arith.constant dense<0x7F800000> : vector<1024xf32>
    %reduce_min3A_24 = vector.multi_reduction <minimumf>, %select_n3A, %reduce_min3A [0] : vector<1024x1024xf32> to vector<1024xf32>
    %convert_element_type3A_25 = arith.fptosi %reduce_min3A_24 : vector<1024xf32> to vector<1024xi32>
    %get3A_26 = arith.constant 1 : index
    %get3A_27 = arith.constant 0 : index
    %get3A_28 = arith.constant 0 : index
    %get3A_29 = vector.load %arg1[%get3A_26, %get3A_27, %get3A_28] : memref<16x32x1024xf32, #tpu.memory_space<vmem>>, vector<1x32x1024xf32>
    %get3A_30 = vector.shape_cast %get3A_29 : vector<1x32x1024xf32> to vector<32x1024xf32>
    %dot_general3A_31 = arith.constant dense<0.000000e+00> : vector<1024x1024xf32>
    %dot_general3A_32 = tpu.matmul %get3A_1, %get3A_30, %dot_general3A_31 {dimension_numbers = #tpu.dot_dimension_numbers<[1], [0], [0], [1], [0, 0, 1, 1], [], []>, transpose_lhs_hint = false} : vector<1024x32xf32>, vector<32x1024xf32>, vector<1024x1024xf32> -> vector<1024x1024xf32>
    %add3A_33 = vector.broadcast %add3A : vector<1024x1xf32> to vector<1024x1024xf32>
    %add3A_34 = arith.addf %dot_general3A_32, %add3A_33 : vector<1024x1024xf32>
    %reduce_max3A_35 = arith.constant dense<0xFF800000> : vector<1024xf32>
    %reduce_max3A_36 = vector.multi_reduction <maximumf>, %add3A_34, %reduce_max3A_35 [0] : vector<1024x1024xf32> to vector<1024xf32>
    %iota3A_37 = tpu.iota {dimensions = array<i32: 0>} : vector<1024x1024xi32>
    %convert_element_type3A_38 = arith.sitofp %iota3A_37 : vector<1024x1024xi32> to vector<1024x1024xf32>
    %broadcast_in_dim3A_39 = vector.shape_cast %reduce_max3A_36 : vector<1024xf32> to vector<1x1024xf32>
    %eq3A_40 = vector.broadcast %broadcast_in_dim3A_39 : vector<1x1024xf32> to vector<1024x1024xf32>
    %eq3A_41 = arith.cmpf oeq, %add3A_34, %eq3A_40 : vector<1024x1024xf32>
    %jit3A_42 = arith.constant 1.024000e+03 : f32
    %broadcast_in_dim3A_43 = vector.broadcast %jit3A_42 : f32 to vector<1024x1024xf32>
    %select_n3A_44 = arith.select %eq3A_41, %convert_element_type3A_38, %broadcast_in_dim3A_43 : vector<1024x1024xi1>, vector<1024x1024xf32>
    %reduce_min3A_45 = arith.constant dense<0x7F800000> : vector<1024xf32>
    %reduce_min3A_46 = vector.multi_reduction <minimumf>, %select_n3A_44, %reduce_min3A_45 [0] : vector<1024x1024xf32> to vector<1024xf32>
    %convert_element_type3A_47 = arith.fptosi %reduce_min3A_46 : vector<1024xf32> to vector<1024xi32>
    %get3A_48 = arith.constant 2 : index
    %get3A_49 = arith.constant 0 : index
    %get3A_50 = arith.constant 0 : index
    %get3A_51 = vector.load %arg1[%get3A_48, %get3A_49, %get3A_50] : memref<16x32x1024xf32, #tpu.memory_space<vmem>>, vector<1x32x1024xf32>
    %get3A_52 = vector.shape_cast %get3A_51 : vector<1x32x1024xf32> to vector<32x1024xf32>
    %dot_general3A_53 = arith.constant dense<0.000000e+00> : vector<1024x1024xf32>
    %dot_general3A_54 = tpu.matmul %get3A_1, %get3A_52, %dot_general3A_53 {dimension_numbers = #tpu.dot_dimension_numbers<[1], [0], [0], [1], [0, 0, 1, 1], [], []>, transpose_lhs_hint = false} : vector<1024x32xf32>, vector<32x1024xf32>, vector<1024x1024xf32> -> vector<1024x1024xf32>
    %add3A_55 = vector.broadcast %add3A : vector<1024x1xf32> to vector<1024x1024xf32>
    %add3A_56 = arith.addf %dot_general3A_54, %add3A_55 : vector<1024x1024xf32>
    %reduce_max3A_57 = arith.constant dense<0xFF800000> : vector<1024xf32>
    %reduce_max3A_58 = vector.multi_reduction <maximumf>, %add3A_56, %reduce_max3A_57 [0] : vector<1024x1024xf32> to vector<1024xf32>
    %iota3A_59 = tpu.iota {dimensions = array<i32: 0>} : vector<1024x1024xi32>
    %convert_element_type3A_60 = arith.sitofp %iota3A_59 : vector<1024x1024xi32> to vector<1024x1024xf32>
    %broadcast_in_dim3A_61 = vector.shape_cast %reduce_max3A_58 : vector<1024xf32> to vector<1x1024xf32>
    %eq3A_62 = vector.broadcast %broadcast_in_dim3A_61 : vector<1x1024xf32> to vector<1024x1024xf32>
    %eq3A_63 = arith.cmpf oeq, %add3A_56, %eq3A_62 : vector<1024x1024xf32>
    %jit3A_64 = arith.constant 1.024000e+03 : f32
    %broadcast_in_dim3A_65 = vector.broadcast %jit3A_64 : f32 to vector<1024x1024xf32>
    %select_n3A_66 = arith.select %eq3A_63, %convert_element_type3A_60, %broadcast_in_dim3A_65 : vector<1024x1024xi1>, vector<1024x1024xf32>
    %reduce_min3A_67 = arith.constant dense<0x7F800000> : vector<1024xf32>
    %reduce_min3A_68 = vector.multi_reduction <minimumf>, %select_n3A_66, %reduce_min3A_67 [0] : vector<1024x1024xf32> to vector<1024xf32>
    %convert_element_type3A_69 = arith.fptosi %reduce_min3A_68 : vector<1024xf32> to vector<1024xi32>
    %get3A_70 = arith.constant 3 : index
    %get3A_71 = arith.constant 0 : index
    %get3A_72 = arith.constant 0 : index
    %get3A_73 = vector.load %arg1[%get3A_70, %get3A_71, %get3A_72] : memref<16x32x1024xf32, #tpu.memory_space<vmem>>, vector<1x32x1024xf32>
    %get3A_74 = vector.shape_cast %get3A_73 : vector<1x32x1024xf32> to vector<32x1024xf32>
    %dot_general3A_75 = arith.constant dense<0.000000e+00> : vector<1024x1024xf32>
    %dot_general3A_76 = tpu.matmul %get3A_1, %get3A_74, %dot_general3A_75 {dimension_numbers = #tpu.dot_dimension_numbers<[1], [0], [0], [1], [0, 0, 1, 1], [], []>, transpose_lhs_hint = false} : vector<1024x32xf32>, vector<32x1024xf32>, vector<1024x1024xf32> -> vector<1024x1024xf32>
    %add3A_77 = vector.broadcast %add3A : vector<1024x1xf32> to vector<1024x1024xf32>
    %add3A_78 = arith.addf %dot_general3A_76, %add3A_77 : vector<1024x1024xf32>
    %reduce_max3A_79 = arith.constant dense<0xFF800000> : vector<1024xf32>
    %reduce_max3A_80 = vector.multi_reduction <maximumf>, %add3A_78, %reduce_max3A_79 [0] : vector<1024x1024xf32> to vector<1024xf32>
    %iota3A_81 = tpu.iota {dimensions = array<i32: 0>} : vector<1024x1024xi32>
    %convert_element_type3A_82 = arith.sitofp %iota3A_81 : vector<1024x1024xi32> to vector<1024x1024xf32>
    %broadcast_in_dim3A_83 = vector.shape_cast %reduce_max3A_80 : vector<1024xf32> to vector<1x1024xf32>
    %eq3A_84 = vector.broadcast %broadcast_in_dim3A_83 : vector<1x1024xf32> to vector<1024x1024xf32>
    %eq3A_85 = arith.cmpf oeq, %add3A_78, %eq3A_84 : vector<1024x1024xf32>
    %jit3A_86 = arith.constant 1.024000e+03 : f32
    %broadcast_in_dim3A_87 = vector.broadcast %jit3A_86 : f32 to vector<1024x1024xf32>
    %select_n3A_88 = arith.select %eq3A_85, %convert_element_type3A_82, %broadcast_in_dim3A_87 : vector<1024x1024xi1>, vector<1024x1024xf32>
    %reduce_min3A_89 = arith.constant dense<0x7F800000> : vector<1024xf32>
    %reduce_min3A_90 = vector.multi_reduction <minimumf>, %select_n3A_88, %reduce_min3A_89 [0] : vector<1024x1024xf32> to vector<1024xf32>
    %convert_element_type3A_91 = arith.fptosi %reduce_min3A_90 : vector<1024xf32> to vector<1024xi32>
    %get3A_92 = arith.constant 4 : index
    %get3A_93 = arith.constant 0 : index
    %get3A_94 = arith.constant 0 : index
    %get3A_95 = vector.load %arg1[%get3A_92, %get3A_93, %get3A_94] : memref<16x32x1024xf32, #tpu.memory_space<vmem>>, vector<1x32x1024xf32>
    %get3A_96 = vector.shape_cast %get3A_95 : vector<1x32x1024xf32> to vector<32x1024xf32>
    %dot_general3A_97 = arith.constant dense<0.000000e+00> : vector<1024x1024xf32>
    %dot_general3A_98 = tpu.matmul %get3A_1, %get3A_96, %dot_general3A_97 {dimension_numbers = #tpu.dot_dimension_numbers<[1], [0], [0], [1], [0, 0, 1, 1], [], []>, transpose_lhs_hint = false} : vector<1024x32xf32>, vector<32x1024xf32>, vector<1024x1024xf32> -> vector<1024x1024xf32>
    %add3A_99 = vector.broadcast %add3A : vector<1024x1xf32> to vector<1024x1024xf32>
    %add3A_100 = arith.addf %dot_general3A_98, %add3A_99 : vector<1024x1024xf32>
    %reduce_max3A_101 = arith.constant dense<0xFF800000> : vector<1024xf32>
    %reduce_max3A_102 = vector.multi_reduction <maximumf>, %add3A_100, %reduce_max3A_101 [0] : vector<1024x1024xf32> to vector<1024xf32>
    %iota3A_103 = tpu.iota {dimensions = array<i32: 0>} : vector<1024x1024xi32>
    %convert_element_type3A_104 = arith.sitofp %iota3A_103 : vector<1024x1024xi32> to vector<1024x1024xf32>
    %broadcast_in_dim3A_105 = vector.shape_cast %reduce_max3A_102 : vector<1024xf32> to vector<1x1024xf32>
    %eq3A_106 = vector.broadcast %broadcast_in_dim3A_105 : vector<1x1024xf32> to vector<1024x1024xf32>
    %eq3A_107 = arith.cmpf oeq, %add3A_100, %eq3A_106 : vector<1024x1024xf32>
    %jit3A_108 = arith.constant 1.024000e+03 : f32
    %broadcast_in_dim3A_109 = vector.broadcast %jit3A_108 : f32 to vector<1024x1024xf32>
    %select_n3A_110 = arith.select %eq3A_107, %convert_element_type3A_104, %broadcast_in_dim3A_109 : vector<1024x1024xi1>, vector<1024x1024xf32>
    %reduce_min3A_111 = arith.constant dense<0x7F800000> : vector<1024xf32>
    %reduce_min3A_112 = vector.multi_reduction <minimumf>, %select_n3A_110, %reduce_min3A_111 [0] : vector<1024x1024xf32> to vector<1024xf32>
    %convert_element_type3A_113 = arith.fptosi %reduce_min3A_112 : vector<1024xf32> to vector<1024xi32>
    %get3A_114 = arith.constant 5 : index
    %get3A_115 = arith.constant 0 : index
    %get3A_116 = arith.constant 0 : index
    %get3A_117 = vector.load %arg1[%get3A_114, %get3A_115, %get3A_116] : memref<16x32x1024xf32, #tpu.memory_space<vmem>>, vector<1x32x1024xf32>
    %get3A_118 = vector.shape_cast %get3A_117 : vector<1x32x1024xf32> to vector<32x1024xf32>
    %dot_general3A_119 = arith.constant dense<0.000000e+00> : vector<1024x1024xf32>
    %dot_general3A_120 = tpu.matmul %get3A_1, %get3A_118, %dot_general3A_119 {dimension_numbers = #tpu.dot_dimension_numbers<[1], [0], [0], [1], [0, 0, 1, 1], [], []>, transpose_lhs_hint = false} : vector<1024x32xf32>, vector<32x1024xf32>, vector<1024x1024xf32> -> vector<1024x1024xf32>
    %add3A_121 = vector.broadcast %add3A : vector<1024x1xf32> to vector<1024x1024xf32>
    %add3A_122 = arith.addf %dot_general3A_120, %add3A_121 : vector<1024x1024xf32>
    %reduce_max3A_123 = arith.constant dense<0xFF800000> : vector<1024xf32>
    %reduce_max3A_124 = vector.multi_reduction <maximumf>, %add3A_122, %reduce_max3A_123 [0] : vector<1024x1024xf32> to vector<1024xf32>
    %iota3A_125 = tpu.iota {dimensions = array<i32: 0>} : vector<1024x1024xi32>
    %convert_element_type3A_126 = arith.sitofp %iota3A_125 : vector<1024x1024xi32> to vector<1024x1024xf32>
    %broadcast_in_dim3A_127 = vector.shape_cast %reduce_max3A_124 : vector<1024xf32> to vector<1x1024xf32>
    %eq3A_128 = vector.broadcast %broadcast_in_dim3A_127 : vector<1x1024xf32> to vector<1024x1024xf32>
    %eq3A_129 = arith.cmpf oeq, %add3A_122, %eq3A_128 : vector<1024x1024xf32>
    %jit3A_130 = arith.constant 1.024000e+03 : f32
    %broadcast_in_dim3A_131 = vector.broadcast %jit3A_130 : f32 to vector<1024x1024xf32>
    %select_n3A_132 = arith.select %eq3A_129, %convert_element_type3A_126, %broadcast_in_dim3A_131 : vector<1024x1024xi1>, vector<1024x1024xf32>
    %reduce_min3A_133 = arith.constant dense<0x7F800000> : vector<1024xf32>
    %reduce_min3A_134 = vector.multi_reduction <minimumf>, %select_n3A_132, %reduce_min3A_133 [0] : vector<1024x1024xf32> to vector<1024xf32>
    %convert_element_type3A_135 = arith.fptosi %reduce_min3A_134 : vector<1024xf32> to vector<1024xi32>
    %get3A_136 = arith.constant 6 : index
    %get3A_137 = arith.constant 0 : index
    %get3A_138 = arith.constant 0 : index
    %get3A_139 = vector.load %arg1[%get3A_136, %get3A_137, %get3A_138] : memref<16x32x1024xf32, #tpu.memory_space<vmem>>, vector<1x32x1024xf32>
    %get3A_140 = vector.shape_cast %get3A_139 : vector<1x32x1024xf32> to vector<32x1024xf32>
    %dot_general3A_141 = arith.constant dense<0.000000e+00> : vector<1024x1024xf32>
    %dot_general3A_142 = tpu.matmul %get3A_1, %get3A_140, %dot_general3A_141 {dimension_numbers = #tpu.dot_dimension_numbers<[1], [0], [0], [1], [0, 0, 1, 1], [], []>, transpose_lhs_hint = false} : vector<1024x32xf32>, vector<32x1024xf32>, vector<1024x1024xf32> -> vector<1024x1024xf32>
    %add3A_143 = vector.broadcast %add3A : vector<1024x1xf32> to vector<1024x1024xf32>
    %add3A_144 = arith.addf %dot_general3A_142, %add3A_143 : vector<1024x1024xf32>
    %reduce_max3A_145 = arith.constant dense<0xFF800000> : vector<1024xf32>
    %reduce_max3A_146 = vector.multi_reduction <maximumf>, %add3A_144, %reduce_max3A_145 [0] : vector<1024x1024xf32> to vector<1024xf32>
    %iota3A_147 = tpu.iota {dimensions = array<i32: 0>} : vector<1024x1024xi32>
    %convert_element_type3A_148 = arith.sitofp %iota3A_147 : vector<1024x1024xi32> to vector<1024x1024xf32>
    %broadcast_in_dim3A_149 = vector.shape_cast %reduce_max3A_146 : vector<1024xf32> to vector<1x1024xf32>
    %eq3A_150 = vector.broadcast %broadcast_in_dim3A_149 : vector<1x1024xf32> to vector<1024x1024xf32>
    %eq3A_151 = arith.cmpf oeq, %add3A_144, %eq3A_150 : vector<1024x1024xf32>
    %jit3A_152 = arith.constant 1.024000e+03 : f32
    %broadcast_in_dim3A_153 = vector.broadcast %jit3A_152 : f32 to vector<1024x1024xf32>
    %select_n3A_154 = arith.select %eq3A_151, %convert_element_type3A_148, %broadcast_in_dim3A_153 : vector<1024x1024xi1>, vector<1024x1024xf32>
    %reduce_min3A_155 = arith.constant dense<0x7F800000> : vector<1024xf32>
    %reduce_min3A_156 = vector.multi_reduction <minimumf>, %select_n3A_154, %reduce_min3A_155 [0] : vector<1024x1024xf32> to vector<1024xf32>
    %convert_element_type3A_157 = arith.fptosi %reduce_min3A_156 : vector<1024xf32> to vector<1024xi32>
    %get3A_158 = arith.constant 7 : index
    %get3A_159 = arith.constant 0 : index
    %get3A_160 = arith.constant 0 : index
    %get3A_161 = vector.load %arg1[%get3A_158, %get3A_159, %get3A_160] : memref<16x32x1024xf32, #tpu.memory_space<vmem>>, vector<1x32x1024xf32>
    %get3A_162 = vector.shape_cast %get3A_161 : vector<1x32x1024xf32> to vector<32x1024xf32>
    %dot_general3A_163 = arith.constant dense<0.000000e+00> : vector<1024x1024xf32>
    %dot_general3A_164 = tpu.matmul %get3A_1, %get3A_162, %dot_general3A_163 {dimension_numbers = #tpu.dot_dimension_numbers<[1], [0], [0], [1], [0, 0, 1, 1], [], []>, transpose_lhs_hint = false} : vector<1024x32xf32>, vector<32x1024xf32>, vector<1024x1024xf32> -> vector<1024x1024xf32>
    %add3A_165 = vector.broadcast %add3A : vector<1024x1xf32> to vector<1024x1024xf32>
    %add3A_166 = arith.addf %dot_general3A_164, %add3A_165 : vector<1024x1024xf32>
    %reduce_max3A_167 = arith.constant dense<0xFF800000> : vector<1024xf32>
    %reduce_max3A_168 = vector.multi_reduction <maximumf>, %add3A_166, %reduce_max3A_167 [0] : vector<1024x1024xf32> to vector<1024xf32>
    %iota3A_169 = tpu.iota {dimensions = array<i32: 0>} : vector<1024x1024xi32>
    %convert_element_type3A_170 = arith.sitofp %iota3A_169 : vector<1024x1024xi32> to vector<1024x1024xf32>
    %broadcast_in_dim3A_171 = vector.shape_cast %reduce_max3A_168 : vector<1024xf32> to vector<1x1024xf32>
    %eq3A_172 = vector.broadcast %broadcast_in_dim3A_171 : vector<1x1024xf32> to vector<1024x1024xf32>
    %eq3A_173 = arith.cmpf oeq, %add3A_166, %eq3A_172 : vector<1024x1024xf32>
    %jit3A_174 = arith.constant 1.024000e+03 : f32
    %broadcast_in_dim3A_175 = vector.broadcast %jit3A_174 : f32 to vector<1024x1024xf32>
    %select_n3A_176 = arith.select %eq3A_173, %convert_element_type3A_170, %broadcast_in_dim3A_175 : vector<1024x1024xi1>, vector<1024x1024xf32>
    %reduce_min3A_177 = arith.constant dense<0x7F800000> : vector<1024xf32>
    %reduce_min3A_178 = vector.multi_reduction <minimumf>, %select_n3A_176, %reduce_min3A_177 [0] : vector<1024x1024xf32> to vector<1024xf32>
    %convert_element_type3A_179 = arith.fptosi %reduce_min3A_178 : vector<1024xf32> to vector<1024xi32>
    %get3A_180 = arith.constant 8 : index
    %get3A_181 = arith.constant 0 : index
    %get3A_182 = arith.constant 0 : index
    %get3A_183 = vector.load %arg1[%get3A_180, %get3A_181, %get3A_182] : memref<16x32x1024xf32, #tpu.memory_space<vmem>>, vector<1x32x1024xf32>
    %get3A_184 = vector.shape_cast %get3A_183 : vector<1x32x1024xf32> to vector<32x1024xf32>
    %dot_general3A_185 = arith.constant dense<0.000000e+00> : vector<1024x1024xf32>
    %dot_general3A_186 = tpu.matmul %get3A_1, %get3A_184, %dot_general3A_185 {dimension_numbers = #tpu.dot_dimension_numbers<[1], [0], [0], [1], [0, 0, 1, 1], [], []>, transpose_lhs_hint = false} : vector<1024x32xf32>, vector<32x1024xf32>, vector<1024x1024xf32> -> vector<1024x1024xf32>
    %add3A_187 = vector.broadcast %add3A : vector<1024x1xf32> to vector<1024x1024xf32>
    %add3A_188 = arith.addf %dot_general3A_186, %add3A_187 : vector<1024x1024xf32>
    %reduce_max3A_189 = arith.constant dense<0xFF800000> : vector<1024xf32>
    %reduce_max3A_190 = vector.multi_reduction <maximumf>, %add3A_188, %reduce_max3A_189 [0] : vector<1024x1024xf32> to vector<1024xf32>
    %iota3A_191 = tpu.iota {dimensions = array<i32: 0>} : vector<1024x1024xi32>
    %convert_element_type3A_192 = arith.sitofp %iota3A_191 : vector<1024x1024xi32> to vector<1024x1024xf32>
    %broadcast_in_dim3A_193 = vector.shape_cast %reduce_max3A_190 : vector<1024xf32> to vector<1x1024xf32>
    %eq3A_194 = vector.broadcast %broadcast_in_dim3A_193 : vector<1x1024xf32> to vector<1024x1024xf32>
    %eq3A_195 = arith.cmpf oeq, %add3A_188, %eq3A_194 : vector<1024x1024xf32>
    %jit3A_196 = arith.constant 1.024000e+03 : f32
    %broadcast_in_dim3A_197 = vector.broadcast %jit3A_196 : f32 to vector<1024x1024xf32>
    %select_n3A_198 = arith.select %eq3A_195, %convert_element_type3A_192, %broadcast_in_dim3A_197 : vector<1024x1024xi1>, vector<1024x1024xf32>
    %reduce_min3A_199 = arith.constant dense<0x7F800000> : vector<1024xf32>
    %reduce_min3A_200 = vector.multi_reduction <minimumf>, %select_n3A_198, %reduce_min3A_199 [0] : vector<1024x1024xf32> to vector<1024xf32>
    %convert_element_type3A_201 = arith.fptosi %reduce_min3A_200 : vector<1024xf32> to vector<1024xi32>
    %get3A_202 = arith.constant 9 : index
    %get3A_203 = arith.constant 0 : index
    %get3A_204 = arith.constant 0 : index
    %get3A_205 = vector.load %arg1[%get3A_202, %get3A_203, %get3A_204] : memref<16x32x1024xf32, #tpu.memory_space<vmem>>, vector<1x32x1024xf32>
    %get3A_206 = vector.shape_cast %get3A_205 : vector<1x32x1024xf32> to vector<32x1024xf32>
    %dot_general3A_207 = arith.constant dense<0.000000e+00> : vector<1024x1024xf32>
    %dot_general3A_208 = tpu.matmul %get3A_1, %get3A_206, %dot_general3A_207 {dimension_numbers = #tpu.dot_dimension_numbers<[1], [0], [0], [1], [0, 0, 1, 1], [], []>, transpose_lhs_hint = false} : vector<1024x32xf32>, vector<32x1024xf32>, vector<1024x1024xf32> -> vector<1024x1024xf32>
    %add3A_209 = vector.broadcast %add3A : vector<1024x1xf32> to vector<1024x1024xf32>
    %add3A_210 = arith.addf %dot_general3A_208, %add3A_209 : vector<1024x1024xf32>
    %reduce_max3A_211 = arith.constant dense<0xFF800000> : vector<1024xf32>
    %reduce_max3A_212 = vector.multi_reduction <maximumf>, %add3A_210, %reduce_max3A_211 [0] : vector<1024x1024xf32> to vector<1024xf32>
    %iota3A_213 = tpu.iota {dimensions = array<i32: 0>} : vector<1024x1024xi32>
    %convert_element_type3A_214 = arith.sitofp %iota3A_213 : vector<1024x1024xi32> to vector<1024x1024xf32>
    %broadcast_in_dim3A_215 = vector.shape_cast %reduce_max3A_212 : vector<1024xf32> to vector<1x1024xf32>
    %eq3A_216 = vector.broadcast %broadcast_in_dim3A_215 : vector<1x1024xf32> to vector<1024x1024xf32>
    %eq3A_217 = arith.cmpf oeq, %add3A_210, %eq3A_216 : vector<1024x1024xf32>
    %jit3A_218 = arith.constant 1.024000e+03 : f32
    %broadcast_in_dim3A_219 = vector.broadcast %jit3A_218 : f32 to vector<1024x1024xf32>
    %select_n3A_220 = arith.select %eq3A_217, %convert_element_type3A_214, %broadcast_in_dim3A_219 : vector<1024x1024xi1>, vector<1024x1024xf32>
    %reduce_min3A_221 = arith.constant dense<0x7F800000> : vector<1024xf32>
    %reduce_min3A_222 = vector.multi_reduction <minimumf>, %select_n3A_220, %reduce_min3A_221 [0] : vector<1024x1024xf32> to vector<1024xf32>
    %convert_element_type3A_223 = arith.fptosi %reduce_min3A_222 : vector<1024xf32> to vector<1024xi32>
    %get3A_224 = arith.constant 10 : index
    %get3A_225 = arith.constant 0 : index
    %get3A_226 = arith.constant 0 : index
    %get3A_227 = vector.load %arg1[%get3A_224, %get3A_225, %get3A_226] : memref<16x32x1024xf32, #tpu.memory_space<vmem>>, vector<1x32x1024xf32>
    %get3A_228 = vector.shape_cast %get3A_227 : vector<1x32x1024xf32> to vector<32x1024xf32>
    %dot_general3A_229 = arith.constant dense<0.000000e+00> : vector<1024x1024xf32>
    %dot_general3A_230 = tpu.matmul %get3A_1, %get3A_228, %dot_general3A_229 {dimension_numbers = #tpu.dot_dimension_numbers<[1], [0], [0], [1], [0, 0, 1, 1], [], []>, transpose_lhs_hint = false} : vector<1024x32xf32>, vector<32x1024xf32>, vector<1024x1024xf32> -> vector<1024x1024xf32>
    %add3A_231 = vector.broadcast %add3A : vector<1024x1xf32> to vector<1024x1024xf32>
    %add3A_232 = arith.addf %dot_general3A_230, %add3A_231 : vector<1024x1024xf32>
    %reduce_max3A_233 = arith.constant dense<0xFF800000> : vector<1024xf32>
    %reduce_max3A_234 = vector.multi_reduction <maximumf>, %add3A_232, %reduce_max3A_233 [0] : vector<1024x1024xf32> to vector<1024xf32>
    %iota3A_235 = tpu.iota {dimensions = array<i32: 0>} : vector<1024x1024xi32>
    %convert_element_type3A_236 = arith.sitofp %iota3A_235 : vector<1024x1024xi32> to vector<1024x1024xf32>
    %broadcast_in_dim3A_237 = vector.shape_cast %reduce_max3A_234 : vector<1024xf32> to vector<1x1024xf32>
    %eq3A_238 = vector.broadcast %broadcast_in_dim3A_237 : vector<1x1024xf32> to vector<1024x1024xf32>
    %eq3A_239 = arith.cmpf oeq, %add3A_232, %eq3A_238 : vector<1024x1024xf32>
    %jit3A_240 = arith.constant 1.024000e+03 : f32
    %broadcast_in_dim3A_241 = vector.broadcast %jit3A_240 : f32 to vector<1024x1024xf32>
    %select_n3A_242 = arith.select %eq3A_239, %convert_element_type3A_236, %broadcast_in_dim3A_241 : vector<1024x1024xi1>, vector<1024x1024xf32>
    %reduce_min3A_243 = arith.constant dense<0x7F800000> : vector<1024xf32>
    %reduce_min3A_244 = vector.multi_reduction <minimumf>, %select_n3A_242, %reduce_min3A_243 [0] : vector<1024x1024xf32> to vector<1024xf32>
    %convert_element_type3A_245 = arith.fptosi %reduce_min3A_244 : vector<1024xf32> to vector<1024xi32>
    %get3A_246 = arith.constant 11 : index
    %get3A_247 = arith.constant 0 : index
    %get3A_248 = arith.constant 0 : index
    %get3A_249 = vector.load %arg1[%get3A_246, %get3A_247, %get3A_248] : memref<16x32x1024xf32, #tpu.memory_space<vmem>>, vector<1x32x1024xf32>
    %get3A_250 = vector.shape_cast %get3A_249 : vector<1x32x1024xf32> to vector<32x1024xf32>
    %dot_general3A_251 = arith.constant dense<0.000000e+00> : vector<1024x1024xf32>
    %dot_general3A_252 = tpu.matmul %get3A_1, %get3A_250, %dot_general3A_251 {dimension_numbers = #tpu.dot_dimension_numbers<[1], [0], [0], [1], [0, 0, 1, 1], [], []>, transpose_lhs_hint = false} : vector<1024x32xf32>, vector<32x1024xf32>, vector<1024x1024xf32> -> vector<1024x1024xf32>
    %add3A_253 = vector.broadcast %add3A : vector<1024x1xf32> to vector<1024x1024xf32>
    %add3A_254 = arith.addf %dot_general3A_252, %add3A_253 : vector<1024x1024xf32>
    %reduce_max3A_255 = arith.constant dense<0xFF800000> : vector<1024xf32>
    %reduce_max3A_256 = vector.multi_reduction <maximumf>, %add3A_254, %reduce_max3A_255 [0] : vector<1024x1024xf32> to vector<1024xf32>
    %iota3A_257 = tpu.iota {dimensions = array<i32: 0>} : vector<1024x1024xi32>
    %convert_element_type3A_258 = arith.sitofp %iota3A_257 : vector<1024x1024xi32> to vector<1024x1024xf32>
    %broadcast_in_dim3A_259 = vector.shape_cast %reduce_max3A_256 : vector<1024xf32> to vector<1x1024xf32>
    %eq3A_260 = vector.broadcast %broadcast_in_dim3A_259 : vector<1x1024xf32> to vector<1024x1024xf32>
    %eq3A_261 = arith.cmpf oeq, %add3A_254, %eq3A_260 : vector<1024x1024xf32>
    %jit3A_262 = arith.constant 1.024000e+03 : f32
    %broadcast_in_dim3A_263 = vector.broadcast %jit3A_262 : f32 to vector<1024x1024xf32>
    %select_n3A_264 = arith.select %eq3A_261, %convert_element_type3A_258, %broadcast_in_dim3A_263 : vector<1024x1024xi1>, vector<1024x1024xf32>
    %reduce_min3A_265 = arith.constant dense<0x7F800000> : vector<1024xf32>
    %reduce_min3A_266 = vector.multi_reduction <minimumf>, %select_n3A_264, %reduce_min3A_265 [0] : vector<1024x1024xf32> to vector<1024xf32>
    %convert_element_type3A_267 = arith.fptosi %reduce_min3A_266 : vector<1024xf32> to vector<1024xi32>
    %get3A_268 = arith.constant 12 : index
    %get3A_269 = arith.constant 0 : index
    %get3A_270 = arith.constant 0 : index
    %get3A_271 = vector.load %arg1[%get3A_268, %get3A_269, %get3A_270] : memref<16x32x1024xf32, #tpu.memory_space<vmem>>, vector<1x32x1024xf32>
    %get3A_272 = vector.shape_cast %get3A_271 : vector<1x32x1024xf32> to vector<32x1024xf32>
    %dot_general3A_273 = arith.constant dense<0.000000e+00> : vector<1024x1024xf32>
    %dot_general3A_274 = tpu.matmul %get3A_1, %get3A_272, %dot_general3A_273 {dimension_numbers = #tpu.dot_dimension_numbers<[1], [0], [0], [1], [0, 0, 1, 1], [], []>, transpose_lhs_hint = false} : vector<1024x32xf32>, vector<32x1024xf32>, vector<1024x1024xf32> -> vector<1024x1024xf32>
    %add3A_275 = vector.broadcast %add3A : vector<1024x1xf32> to vector<1024x1024xf32>
    %add3A_276 = arith.addf %dot_general3A_274, %add3A_275 : vector<1024x1024xf32>
    %reduce_max3A_277 = arith.constant dense<0xFF800000> : vector<1024xf32>
    %reduce_max3A_278 = vector.multi_reduction <maximumf>, %add3A_276, %reduce_max3A_277 [0] : vector<1024x1024xf32> to vector<1024xf32>
    %iota3A_279 = tpu.iota {dimensions = array<i32: 0>} : vector<1024x1024xi32>
    %convert_element_type3A_280 = arith.sitofp %iota3A_279 : vector<1024x1024xi32> to vector<1024x1024xf32>
    %broadcast_in_dim3A_281 = vector.shape_cast %reduce_max3A_278 : vector<1024xf32> to vector<1x1024xf32>
    %eq3A_282 = vector.broadcast %broadcast_in_dim3A_281 : vector<1x1024xf32> to vector<1024x1024xf32>
    %eq3A_283 = arith.cmpf oeq, %add3A_276, %eq3A_282 : vector<1024x1024xf32>
    %jit3A_284 = arith.constant 1.024000e+03 : f32
    %broadcast_in_dim3A_285 = vector.broadcast %jit3A_284 : f32 to vector<1024x1024xf32>
    %select_n3A_286 = arith.select %eq3A_283, %convert_element_type3A_280, %broadcast_in_dim3A_285 : vector<1024x1024xi1>, vector<1024x1024xf32>
    %reduce_min3A_287 = arith.constant dense<0x7F800000> : vector<1024xf32>
    %reduce_min3A_288 = vector.multi_reduction <minimumf>, %select_n3A_286, %reduce_min3A_287 [0] : vector<1024x1024xf32> to vector<1024xf32>
    %convert_element_type3A_289 = arith.fptosi %reduce_min3A_288 : vector<1024xf32> to vector<1024xi32>
    %get3A_290 = arith.constant 13 : index
    %get3A_291 = arith.constant 0 : index
    %get3A_292 = arith.constant 0 : index
    %get3A_293 = vector.load %arg1[%get3A_290, %get3A_291, %get3A_292] : memref<16x32x1024xf32, #tpu.memory_space<vmem>>, vector<1x32x1024xf32>
    %get3A_294 = vector.shape_cast %get3A_293 : vector<1x32x1024xf32> to vector<32x1024xf32>
    %dot_general3A_295 = arith.constant dense<0.000000e+00> : vector<1024x1024xf32>
    %dot_general3A_296 = tpu.matmul %get3A_1, %get3A_294, %dot_general3A_295 {dimension_numbers = #tpu.dot_dimension_numbers<[1], [0], [0], [1], [0, 0, 1, 1], [], []>, transpose_lhs_hint = false} : vector<1024x32xf32>, vector<32x1024xf32>, vector<1024x1024xf32> -> vector<1024x1024xf32>
    %add3A_297 = vector.broadcast %add3A : vector<1024x1xf32> to vector<1024x1024xf32>
    %add3A_298 = arith.addf %dot_general3A_296, %add3A_297 : vector<1024x1024xf32>
    %reduce_max3A_299 = arith.constant dense<0xFF800000> : vector<1024xf32>
    %reduce_max3A_300 = vector.multi_reduction <maximumf>, %add3A_298, %reduce_max3A_299 [0] : vector<1024x1024xf32> to vector<1024xf32>
    %iota3A_301 = tpu.iota {dimensions = array<i32: 0>} : vector<1024x1024xi32>
    %convert_element_type3A_302 = arith.sitofp %iota3A_301 : vector<1024x1024xi32> to vector<1024x1024xf32>
    %broadcast_in_dim3A_303 = vector.shape_cast %reduce_max3A_300 : vector<1024xf32> to vector<1x1024xf32>
    %eq3A_304 = vector.broadcast %broadcast_in_dim3A_303 : vector<1x1024xf32> to vector<1024x1024xf32>
    %eq3A_305 = arith.cmpf oeq, %add3A_298, %eq3A_304 : vector<1024x1024xf32>
    %jit3A_306 = arith.constant 1.024000e+03 : f32
    %broadcast_in_dim3A_307 = vector.broadcast %jit3A_306 : f32 to vector<1024x1024xf32>
    %select_n3A_308 = arith.select %eq3A_305, %convert_element_type3A_302, %broadcast_in_dim3A_307 : vector<1024x1024xi1>, vector<1024x1024xf32>
    %reduce_min3A_309 = arith.constant dense<0x7F800000> : vector<1024xf32>
    %reduce_min3A_310 = vector.multi_reduction <minimumf>, %select_n3A_308, %reduce_min3A_309 [0] : vector<1024x1024xf32> to vector<1024xf32>
    %convert_element_type3A_311 = arith.fptosi %reduce_min3A_310 : vector<1024xf32> to vector<1024xi32>
    %get3A_312 = arith.constant 14 : index
    %get3A_313 = arith.constant 0 : index
    %get3A_314 = arith.constant 0 : index
    %get3A_315 = vector.load %arg1[%get3A_312, %get3A_313, %get3A_314] : memref<16x32x1024xf32, #tpu.memory_space<vmem>>, vector<1x32x1024xf32>
    %get3A_316 = vector.shape_cast %get3A_315 : vector<1x32x1024xf32> to vector<32x1024xf32>
    %dot_general3A_317 = arith.constant dense<0.000000e+00> : vector<1024x1024xf32>
    %dot_general3A_318 = tpu.matmul %get3A_1, %get3A_316, %dot_general3A_317 {dimension_numbers = #tpu.dot_dimension_numbers<[1], [0], [0], [1], [0, 0, 1, 1], [], []>, transpose_lhs_hint = false} : vector<1024x32xf32>, vector<32x1024xf32>, vector<1024x1024xf32> -> vector<1024x1024xf32>
    %add3A_319 = vector.broadcast %add3A : vector<1024x1xf32> to vector<1024x1024xf32>
    %add3A_320 = arith.addf %dot_general3A_318, %add3A_319 : vector<1024x1024xf32>
    %reduce_max3A_321 = arith.constant dense<0xFF800000> : vector<1024xf32>
    %reduce_max3A_322 = vector.multi_reduction <maximumf>, %add3A_320, %reduce_max3A_321 [0] : vector<1024x1024xf32> to vector<1024xf32>
    %iota3A_323 = tpu.iota {dimensions = array<i32: 0>} : vector<1024x1024xi32>
    %convert_element_type3A_324 = arith.sitofp %iota3A_323 : vector<1024x1024xi32> to vector<1024x1024xf32>
    %broadcast_in_dim3A_325 = vector.shape_cast %reduce_max3A_322 : vector<1024xf32> to vector<1x1024xf32>
    %eq3A_326 = vector.broadcast %broadcast_in_dim3A_325 : vector<1x1024xf32> to vector<1024x1024xf32>
    %eq3A_327 = arith.cmpf oeq, %add3A_320, %eq3A_326 : vector<1024x1024xf32>
    %jit3A_328 = arith.constant 1.024000e+03 : f32
    %broadcast_in_dim3A_329 = vector.broadcast %jit3A_328 : f32 to vector<1024x1024xf32>
    %select_n3A_330 = arith.select %eq3A_327, %convert_element_type3A_324, %broadcast_in_dim3A_329 : vector<1024x1024xi1>, vector<1024x1024xf32>
    %reduce_min3A_331 = arith.constant dense<0x7F800000> : vector<1024xf32>
    %reduce_min3A_332 = vector.multi_reduction <minimumf>, %select_n3A_330, %reduce_min3A_331 [0] : vector<1024x1024xf32> to vector<1024xf32>
    %convert_element_type3A_333 = arith.fptosi %reduce_min3A_332 : vector<1024xf32> to vector<1024xi32>
    %get3A_334 = arith.constant 15 : index
    %get3A_335 = arith.constant 0 : index
    %get3A_336 = arith.constant 0 : index
    %get3A_337 = vector.load %arg1[%get3A_334, %get3A_335, %get3A_336] : memref<16x32x1024xf32, #tpu.memory_space<vmem>>, vector<1x32x1024xf32>
    %get3A_338 = vector.shape_cast %get3A_337 : vector<1x32x1024xf32> to vector<32x1024xf32>
    %dot_general3A_339 = arith.constant dense<0.000000e+00> : vector<1024x1024xf32>
    %dot_general3A_340 = tpu.matmul %get3A_1, %get3A_338, %dot_general3A_339 {dimension_numbers = #tpu.dot_dimension_numbers<[1], [0], [0], [1], [0, 0, 1, 1], [], []>, transpose_lhs_hint = false} : vector<1024x32xf32>, vector<32x1024xf32>, vector<1024x1024xf32> -> vector<1024x1024xf32>
    %add3A_341 = vector.broadcast %add3A : vector<1024x1xf32> to vector<1024x1024xf32>
    %add3A_342 = arith.addf %dot_general3A_340, %add3A_341 : vector<1024x1024xf32>
    %reduce_max3A_343 = arith.constant dense<0xFF800000> : vector<1024xf32>
    %reduce_max3A_344 = vector.multi_reduction <maximumf>, %add3A_342, %reduce_max3A_343 [0] : vector<1024x1024xf32> to vector<1024xf32>
    %iota3A_345 = tpu.iota {dimensions = array<i32: 0>} : vector<1024x1024xi32>
    %convert_element_type3A_346 = arith.sitofp %iota3A_345 : vector<1024x1024xi32> to vector<1024x1024xf32>
    %broadcast_in_dim3A_347 = vector.shape_cast %reduce_max3A_344 : vector<1024xf32> to vector<1x1024xf32>
    %eq3A_348 = vector.broadcast %broadcast_in_dim3A_347 : vector<1x1024xf32> to vector<1024x1024xf32>
    %eq3A_349 = arith.cmpf oeq, %add3A_342, %eq3A_348 : vector<1024x1024xf32>
    %jit3A_350 = arith.constant 1.024000e+03 : f32
    %broadcast_in_dim3A_351 = vector.broadcast %jit3A_350 : f32 to vector<1024x1024xf32>
    %select_n3A_352 = arith.select %eq3A_349, %convert_element_type3A_346, %broadcast_in_dim3A_351 : vector<1024x1024xi1>, vector<1024x1024xf32>
    %reduce_min3A_353 = arith.constant dense<0x7F800000> : vector<1024xf32>
    %reduce_min3A_354 = vector.multi_reduction <minimumf>, %select_n3A_352, %reduce_min3A_353 [0] : vector<1024x1024xf32> to vector<1024xf32>
    %convert_element_type3A_355 = arith.fptosi %reduce_min3A_354 : vector<1024xf32> to vector<1024xi32>
    %concatenate3A = tpu.concatenate %convert_element_type3A_25, %convert_element_type3A_47, %convert_element_type3A_69, %convert_element_type3A_91, %convert_element_type3A_113, %convert_element_type3A_135, %convert_element_type3A_157, %convert_element_type3A_179, %convert_element_type3A_201, %convert_element_type3A_223, %convert_element_type3A_245, %convert_element_type3A_267, %convert_element_type3A_289, %convert_element_type3A_311, %convert_element_type3A_333, %convert_element_type3A_355 in 0 : vector<1024xi32>, vector<1024xi32>, vector<1024xi32>, vector<1024xi32>, vector<1024xi32>, vector<1024xi32>, vector<1024xi32>, vector<1024xi32>, vector<1024xi32>, vector<1024xi32>, vector<1024xi32>, vector<1024xi32>, vector<1024xi32>, vector<1024xi32>, vector<1024xi32>, vector<1024xi32> -> vector<16384xi32>
    %swap3A = arith.constant 0 : index
    %swap3A_356 = vector.load %arg4[%swap3A] : memref<16384xi32, #tpu.memory_space<vmem>>, vector<16384xi32>
    tpu.vector_store %arg4[%swap3A], %concatenate3A {strides = array<i32>} : memref<16384xi32, #tpu.memory_space<vmem>>, vector<16384xi32>,
    return
  }
  func.func @transform_0(%arg0: i32) -> (i32, i32, i32) {
    %c0_i32 = arith.constant 0 : i32
    %c0_i32_0 = arith.constant 0 : i32
    %c0_i32_1 = arith.constant 0 : i32
    return %arg0, %c0_i32, %c0_i32_0 : i32, i32, i32
  }
  func.func @transform_1(%arg0: i32) -> (i32, i32) {
    %c0_i32 = arith.constant 0 : i32
    %c0_i32_0 = arith.constant 0 : i32
    %c0_i32_1 = arith.constant 0 : i32
    return %c0_i32, %c0_i32_0 : i32, i32
  }
  func.func @transform_2(%arg0: i32) -> (i32, i32) {
    %c0_i32 = arith.constant 0 : i32
    %c0_i32_0 = arith.constant 0 : i32
    %c0_i32_1 = arith.constant 0 : i32
    return %c0_i32, %c0_i32_0 : i32, i32
  }
  func.func @transform_3(%arg0: i32) -> i32 {
    %c0_i32 = arith.constant 0 : i32
    return %arg0 : i32
  }
}

</mosaic_0001>

<sc_bundles>
// kernel: kernel.5.cloned.1.call-start
scs
__scs_entry_jumppad:
0x0: {  	(pc) =	sbr.rel $0x88, $3  }
0x1: {  	(tag) =	ssettag $0x0;
	lr =	simm.s32 $0x1  }
0x2: {  	[smem:$0x3F9E] =	sst lr;
	_ =	strace $0xD0000000  }
0x3: {  	_ = 	snop  }
0x4: {  	_ = 	snop  }
0x5: {  	_ = 	snop  }
0x6: {  	_ = 	snop  }
0x7: {  	_ = 	snop  }
__scs_overlays_trampoline_lowered:
0x8: {  	[smem:$0x3FAD] =	sst s0  }
0x9: {  	[smem:$0x3FAE] =	sst s1  }
0xa: {  	[smem:$0x3FAF] =	sst s2  }
0xb: {  	[smem:$0x3FB0] =	sst s3  }
0xc: {  	[smem:$0x3FB1] =	sst s4  }
0xd: {  	[smem:$0x3FB2] =	sst s5  }
0xe: {  	[smem:$0x3FB3] =	sst s6  }
0xf: {  	[smem:$0x3FB4] =	sst s7  }
0x10: {  	[smem:$0x3FB5] =	sst s8  }
0x11: {  	[smem:$0x3FB6] =	sst s9;
	s0 =	simm.s32 @!p0 $0x0  }
0x12: {  	s1 =	sld [smem:$0x3F9C];
	s0 =	simm.s32 @p0 $0x1  }
0x13: {  	[smem:$0x3FB7] =	sst s0;
	s0 =	simm.s32 @!p1 $0x0  }
0x14: {  	s2 =	sld [smem:$0x3F9B];
	s0 =	simm.s32 @p1 $0x1  }
0x15: {  	[smem:$0x3FB8] =	sst s0;
	s0 =	simm.s32 @!p2 $0x0  }
0x16: {  	s3 =	sld [smem:$0x3FDB];
	s0 =	simm.s32 @p2 $0x1  }
0x17: {  	s4 =	simm.s32 $0x1BF5;
	[smem:$0x3FBA] =	sst s0  }
0x18: {  	s0 =	sld [smem:$0x3F9D];
	_ =	swait.ge [sflag:s4], $0x0  }
0x19: {  	s7 =	sld [smem:$0x3F9E]  }
0x1a: {  	s8 =	sadd.s32 $0xFFFFE003, lr  }
0x1b: {  	s9 =	sadd.s32 $0xFFFFFEF7, lr;
	s5 =	simm.s32 $0xFFFFFFFF;
	p2 =	slt.u32 s8, $0xFFFFF086  }
0x1c: {  	p1 =	slt.u32 s9, $0xF7A;
	s5 =	simm.s32 @!p2 $0x0  }
0x1d: {  	s5 =	simm.s32 @p1 $0x1;
	p0 =	seq.s32 s7, s2  }
0x1e: {  	s7 =	smul.u32 @!p0 $0xF7A, s2;
	p2 =	seq.s32 @!p0 s5, $0x0  }
0x1f: {  	s9 =	smul.u32 $0xF7A, s1;
	s8 =	simm.s32 @!p0 $0x1BF5;
	p2 =	por !p2, p0  }
0x20: {  	[sflag:s8] =	ssyncset.s32 @!p0 $0xFFFFF086;
	s6 =	sadd.s32 @!p0 s3, s7;
	s7 =	simm.s32 @!p0 $0x108  }
0x21: {  	s3 =	sadd.s32 s3, s9;
	s6 =	sadd.s32 @!p0 $0x88, s6;
	s7 =	simm.s32 @p2 $0x1082  }
0x22: {  	[simem:s7], [sflag:s8] =	dma.local @!p0 [hbm:s6], $0xF7A  }
0x23: {  	s9 =	sor.u32 $0xD0000000, s2;
	s6 =	simm.s32 $0x108;
	_ =	swait.ge @!p0 [sflag:s8], $0x0  }
0x24: {  	s3 =	sadd.s32 $0x88, s3;
	s6 =	simm.s32 @!p1 $0x1082;
	[sflag:s4] =	ssyncset.s32 $0xFFFFF086  }
0x25: {  	[simem:s6], [sflag:s4] =	dma.local [hbm:s3], $0xF7A  }
0x26: {  	[smem:$0x3F9E] =	sst s1;
	(tag) =	ssettag s2;
	_ =	strace s9  }
0x27: {  	s1 =	sld [smem:$0x3FAE]  }
0x28: {  	s2 =	sld [smem:$0x3FAF]  }
0x29: {  	s4 =	sld [smem:$0x3FB1]  }
0x2a: {  	p0 =	seq.s32 s5, $0x0;
	s5 =	sld [smem:$0x3FB2]  }
0x2b: {  	s6 =	sld [smem:$0x3FB3]  }
0x2c: {  	s7 =	sld [smem:$0x3FB4]  }
0x2d: {  	s3 =	simm.s32 $0x108;
	s8 =	sld [smem:$0x3FB5]  }
0x2e: {  	s3 =	simm.s32 @!p0 $0x1082;
	s9 =	sld [smem:$0x3FB6]  }
0x2f: {  	lr =	sadd.s32 s0, s3;
	s0 =	sld [smem:$0x3FAD]  }
0x30: {  	s3 =	sld [smem:$0x3FB0]  }
0x31: {  	[smem:$0x3FB9] =	sst s10  }
0x32: {  	s10 =	sld [smem:$0x3FB7];
	_ =	sdelay $0x3  }
0x33: {  	p0 =	seq.s32 s10, $0x1;
	s10 =	sld [smem:$0x3FB9];
	_ =	sdelay $0x3  }
0x34: {  	[smem:$0x3FB9] =	sst s10  }
0x35: {  	s10 =	sld [smem:$0x3FB8];
	_ =	sdelay $0x3  }
0x36: {  	p1 =	seq.s32 s10, $0x1;
	s10 =	sld [smem:$0x3FB9];
	_ =	sdelay $0x3  }
0x37: {  	[smem:$0x3FB9] =	sst s10  }
0x38: {  	s10 =	sld [smem:$0x3FBA]  }
0x39: {  	_ = 	snop;
	(pc) =	sbr.ind lr, $3  }
0x3a: {  	_ = 	snop  }
0x3b: {  	_ = 	snop  }
0x3c: {  	p2 =	seq.s32 s10, $0x1;
	s10 =	sld [smem:$0x3FB9]  }
0x3d: {  	_ =	shalt  }
0x3e: {  	_ =	shalt  }
0x3f: {  	_ =	shalt  }
0x40: {  	_ =	shalt  }
0x41: {  	_ =	shalt  }
0x42: {  	_ =	shalt  }
0x43: {  	_ =	shalt  }
0x44: {  	_ =	shalt  }
0x45: {  	_ =	shalt  }
0x46: {  	_ =	shalt  }
0x47: {  	_ =	shalt  }
0x48: {  	_ =	shalt  }
0x49: {  	_ =	shalt  }
0x4a: {  	_ =	shalt  }
0x4b: {  	_ =	shalt  }
0x4c: {  	_ =	shalt  }
0x4d: {  	_ =	shalt  }
0x4e: {  	_ =	shalt  }
0x4f: {  	_ =	shalt  }
0x50: {  	_ =	shalt  }
0x51: {  	_ =	shalt  }
0x52: {  	_ =	shalt  }
0x53: {  	_ =	shalt  }
0x54: {  	_ =	shalt  }
0x55: {  	_ =	shalt  }
0x56: {  	_ =	shalt  }
0x57: {  	_ =	shalt  }
0x58: {  	_ =	shalt  }
0x59: {  	_ =	shalt  }
0x5a: {  	_ =	shalt  }
0x5b: {  	_ =	shalt  }
0x5c: {  	_ =	shalt  }
0x5d: {  	_ =	shalt  }
0x5e: {  	_ =	shalt  }
0x5f: {  	_ =	shalt  }
0x60: {  	_ =	shalt  }
0x61: {  	_ =	shalt  }
0x62: {  	_ =	shalt  }
0x63: {  	_ =	shalt  }
0x64: {  	_ =	shalt  }
0x65: {  	_ =	shalt  }
0x66: {  	_ =	shalt  }
0x67: {  	_ =	shalt  }
0x68: {  	_ =	shalt  }
0x69: {  	_ =	shalt  }
0x6a: {  	_ =	shalt  }
0x6b: {  	_ =	shalt  }
0x6c: {  	_ =	shalt  }
0x6d: {  	_ =	shalt  }
0x6e: {  	_ =	shalt  }
0x6f: {  	_ =	shalt  }
0x70: {  	_ =	shalt  }
0x71: {  	_ =	shalt  }
0x72: {  	_ =	shalt  }
0x73: {  	_ =	shalt  }
0x74: {  	_ =	shalt  }
0x75: {  	_ =	shalt  }
0x76: {  	_ =	shalt  }
0x77: {  	_ =	shalt  }
0x78: {  	_ =	shalt  }
0x79: {  	_ =	shalt  }
0x7a: {  	_ =	shalt  }
0x7b: {  	_ =	shalt  }
0x7c: {  	_ =	shalt  }
0x7d: {  	_ =	shalt  }
0x7e: {  	_ =	shalt  }
0x7f: {  	_ =	shalt  }
0x80: {  	_ =	shalt  }
0x81: {  	_ =	shalt  }
0x82: {  	_ =	shalt  }
0x83: {  	_ =	shalt  }
0x84: {  	_ =	shalt  }
0x85: {  	_ =	shalt  }
0x86: {  	_ =	shalt  }
0x87: {  	_ =	shalt  }
.Lfunc_end0:
.L_simem_size_0:
called_computation_lowered:
.L_overlay_start_0:
0x88: {  	s2 =	sld [smem:$0x3FD9]  }
0x89: {  	s3 =	sld [smem:$0x3FFE];
	_ =	sdelay $0x1  }
0x8a: {  	s1 =	srdreg.scid  }
0x8b: {  	s0 =	sand.u32 $0x1, s1  }
0x8c: {  	s17 =	sshll.u32 s0, $0xA;
	s2 =	sadd.s32 s3, s2  }
0x8d: {  	s2 =	sadd.s32 s2, s17  }
0x8e: {  	[smem:$0x3FC5] =	sst s2  }
0x8f: {  	_ = 	snop  }
0x90: {  	s2 =	sld [smem:$0x3FD0];
	(tm) =	ssettm $0x1  }
0x91: {  	s18 =	sld [smem:$0x3FFB];
	_ =	sdelay $0x3  }
0x92: {  	_ =	strace s18  }
0x93: {  	s3 =	sld [smem:$0x3FFC];
	_ =	sdelay $0x3  }
0x94: {  	_ =	strace s3  }
0x95: {  	s3 =	sld [smem:$0x3FFD];
	_ =	sdelay $0x3  }
0x96: {  	_ =	strace s3  }
0x97: {  	_ =	strace $0x8FFFFFFF  }
0x98: {  	s19 =	sld [smem:$0x3FDB];
	_ =	sdelay $0x1  }
0x99: {  	s4 =	simm.s32 $_scs_section_size  }
0x9a: {  	s5 =	simm.s32 $_size__tile_overlayer_lowered;
	s6 =	simm.s32 $_tile_overlayer_lowered  }
0x9b: {  	s22 =	simm.s32 $0x1BFF;
	s21 =	sshll.u32 s6, $0x1;
	s3 =	sadd.s32 s4, s19  }
0x9c: {  	s7 =	simm.s32 $0x0;
	s20 =	sshll.u32 s5, $0x1;
	s5 =	sadd.s32 s21, s3  }
0x9d: {  	[timem:s7], [sflag:s22] =	dma.local [hbm:s5], s20  }
0x9e: {  	_ =	swait.ge [sflag:s22], s20  }
0x9f: {  	s4 =	ssub.s32 $0x0, s20;
	[sflag:s22] =	ssyncset.done $0x0  }
0xa0: {  	[sflag:s22] =	ssyncadd.s32 s4;
	_ =	sdelay $0x1  }
0xa1: {  	s23 =	simm.s32 $0x1B8B  }
0xa2: {  	_ =	swait.ge [sflag:s23], $0x1  }
0xa3: {  	[sflag:s23] =	ssyncset.done $0x0  }
0xa4: {  	s25 =	simm.s32 $0x1B8E;
	s24 =	sld [smem:$0x3FFE];
	[sflag:s23] =	ssyncadd.s32 $0xFFFFFFFF  }
0xa5: {  	s26 =	simm.s32 $execute0_lowered;
	[smem:$0x3FD2] =	sst s25  }
0xa6: {  	s5 =	sshll.u32 s26, $0x1;
	_ =	strace $0x80000046;
	[dreg:$0x1] =	wrdreg $0xFFFFFFFF  }
0xa7: {  	s28 =	simm.s32 $_size_execute0_lowered;
	s3 =	sadd.s32 s3, s5;
	[dreg:$0x0] =	wrdreg $0x0  }
0xa8: {  	s5 =	sshll.u32 s28, $0x1;
	[dreg:$0x2] =	wrdreg s3  }
0xa9: {  	[dreg:$0x3] =	wrdreg s5  }
0xaa: {  	[dreg:$0x4] =	wrdreg $0xC0  }
0xab: {  	_ =	task [dreg:s7], $0x5FFFF  }
0xac: {  	[dreg:$0x1] =	wrdreg $0xFFFFFFFF  }
0xad: {  	[dreg:$0x0] =	wrdreg $0x60  }
0xae: {  	[dreg:$0x2] =	wrdreg s24  }
0xaf: {  	[dreg:$0x3] =	wrdreg s2  }
0xb0: {  	[dreg:$0x4] =	wrdreg $0x44000  }
0xb1: {  	[dreg:$0x5] =	wrdreg $0x4C000  }
0xb2: {  	[dreg:$0x6] =	wrdreg $0x9  }
0xb3: {  	_ =	task.clear_ibuf [dreg:s7], $0x7FFFF;
	_ =	strace $0x90000046  }
0xb4: {  	s29 =	simm.s32 $0x9;
	_ =	strace $0x80000048  }
0xb5: {  	_ =	swait.ge [sflag:s29], $0x1  }
0xb6: {  	[sflag:s29] =	ssyncadd.s32 $0xFFFFFFFF  }
0xb7: {  	_ =	strace $0x90000048  }
0xb8: {  	_ =	sfence  }
0xb9: {  	s30 =	sld [smem:$0x0];
	_ =	sdelay $0x2  }
0xba: {  	s31 =	sshll.u32 s1, $0xD;
	s1 =	sshrl.u32 s1, $0x2  }
0xbb: {  	s3 =	sand.u32 $0x4000, s31;
	s1 =	sadd.s32 s1, s30  }
0xbc: {  	s0 =	sor.u32 s3, s0;
	s1 =	sshll.u32 s1, $0x11  }
0xbd: {  	s0 =	sor.u32 s1, s0  }
0xbe: {  	s0 =	sadd.s32 $0x8F2B, s0  }
0xbf: {  	[sflag:s0] =	ssyncadd.remote.s32 $0x1  }
0xc0: {  	_ =	sfence.sel $0xFFFF  }
0xc1: {  	[dreg:$0x0] =	wrdreg $0xFFFFFFFF;
	(pc) =	sbr.abs _section_cstart, $3  }
0xc2: {  	[dreg:$0x1] =	wrdreg $0xFFFFFFFF  }
0xc3: {  	_ =	task.clear_ibuf [dreg:s7], $0x2FFFF;
	_ =	strace $0x9FFFFFFF  }
0xc4: {  	(tm) =	ssettm $0x7FFFFFFF  }
0xc5: {  	_ =	shalt  }
tec
execute0_lowered:
.L_overlay_start_1:
0x0: {  	(tag) =	ssettag $0x1  }
0x1: {  	s4 =	rddreg [dreg:$0x0];
	s6 =	srdreg.scid  }
0x2: {  	s5 =	rddreg [dreg:$0x1];
	s6 =	sand.u32 $0x1, s6  }
0x3: {  	s1 =	rddreg [dreg:$0x2];
	s9 =	sshll.u32 s6, $0x9;
	s6 =	ssub.s32 $0x2, s6  }
0x4: {  	s3 =	rddreg [dreg:$0x3];
	s29 =	sshrl.u32 s6, $0x1  }
0x5: {  	s0 =	rddreg [dreg:$0x4];
	s2 =	simm.s32 $0x0;
	s6 =	ssub.s32 s6, s29  }
0x6: {  	s7 =	stileid.u32;
	p1 =	por $0x0, $0x0;
	s31 =	smax.u32 s6, $0x1  }
0x7: {  	[smem:$0x7FF] =	sst s2;
	s8 =	sshll.u32 s7, $0xA;
	s16 =	sadd.s32 $0xFFFFFFFF, s31  }
0x8: {  	s11 =	sadd.s32 $0x1200, s4;
	p0 =	sne.s32 s7, $0x0;
	p2 =	sne.s32 s16, $0x0  }
.Ltmp0:
0x9: {  	s7 =	simm.s32 $0x400;
	_ =	strace $0x80000047;
	(pc) =	sbr.rel @!p2 .LBB2_3-.Ltmp0, $4  }
0xa: {  	s13 =	sshrl.u32 @!p0 s1, $0x3;
	s12 =	sshrl.u32 @!p0 s3, $0x3;
	s10 =	sor.u32 s9, s8  }
0xb: {  	s8 =	sadd.s32 $0x2200, s4;
	s9 =	sshrl.u32 s10, $0x3;
	s30 =	sshll.u32 s10, $0x2  }
0xc: {  	s10 =	simm.s32 $0x200;
	s4 =	sadd.s32 s9, s4;
	s6 =	simm.s32 $0x1  }
0xd: {  	s9 =	sadd.s32 $0xA00, s4;
	s4 =	sadd.s32 s5, s30;
	s5 =	simm.s32 $0x2  }
0xe: {  	s14 =	simm.s32 @!p0 $0x1C02;
	s15 =	simm.s32 @!p0 $0x2  }
0xf: {  	[spmem:s13], [sflag:s14] =	dma.local @!p0 [hbm:s11], $0x1000  }
0x10: {  	_ =	swait.ge @!p0 [sflag:s15], $0x1000  }
0x11: {  	[sflag:s15] =	ssyncset.done @!p0 $0x0  }
0x12: {  	[sflag:s15] =	ssyncadd.s32 @!p0 $0xFFFFF000  }
0x13: {  	[spmem:s12], [sflag:s14] =	dma.local @!p0 [hbm:s8], $0x800  }
0x14: {  	_ =	swait.ge @!p0 [sflag:s15], $0x800  }
0x15: {  	[sflag:s15] =	ssyncset.done @!p0 $0x0  }
0x16: {  	[sflag:s15] =	ssyncadd.s32 @!p0 $0xFFFFF800  }
0x17: {  	[tilespmem:s2], [sflag:$0x2] =	stream.linear.gather [hbm4b:s9+s2], $0x200, $0x38;
	[tilespmem:$0x5000] =	vst v63  }
0x18: {  	_ =	swait.ge [sflag:s5], $0x200  }
0x19: {  	[sflag:s5] =	ssyncset.done $0x0  }
0x1a: {  	[sflag:s5] =	ssyncadd.s32 $0xFFFFFE00  }
0x1b: {  	[bflag:$0x0] =	sbarrier.arrive $0xFFFF  }
0x1c: {  	[tilespmem:s10], [sflag:$0x1] =	stream.indirect.gather [spmem:s3], $0x1, s2, s10, $0xb8;
	[tilespmem:$0x5000] =	vst v63  }
0x1d: {  	_ =	swait.ge [sflag:s6], $0x200  }
0x1e: {  	[sflag:s6] =	ssyncset.done $0x0  }
0x1f: {  	s16 =	sadd.s32 $0xFFFFFFFF, s16;
	[sflag:s6] =	ssyncadd.s32 $0xFFFFFE00  }
0x20: {  	[tilespmem:s7], [sflag:$0x1] =	stream.indirect.gather [spmem:s1], $0x20, s10, s10, $0xb8;
	[tilespmem:$0x5000] =	vst v63  }
0x21: {  	p2 =	sne.s32 s16, $0x0;
	_ =	swait.ge [sflag:s6], $0x4000  }
.Ltmp1:
0x22: {  	[sflag:s6] =	ssyncset.done $0x0;
	(pc) =	sbr.rel @!p2 .LBB2_3-.Ltmp1, $4  }
0x23: {  	[sflag:s6] =	ssyncadd.s32 $0xFFFFC000  }
0x24: {  	[hbm4b:s4+s2] =	stream.linear.scatter [tilespmem:s7], [sflag:$0x2], $0x4000, $0x38;
	[tilespmem:$0x5000] =	vst v63  }
0x25: {  	_ =	swait.ge [sflag:s5], $0x4000  }
0x26: {  	p1 =	por $0x1, $0x1;
	[sflag:s5] =	ssyncset.done $0x0  }
.LBB2_2:
0x27: {  	[sflag:s5] =	ssyncadd.s32 $0xFFFFC000  }
0x28: {  	[spmem:s13], [sflag:s14] =	dma.local @!p0 [hbm:s11], $0x1000  }
0x29: {  	s16 =	sadd.s32 $0xFFFFFFFF, s16;
	_ =	swait.ge @!p0 [sflag:s15], $0x1000  }
0x2a: {  	p2 =	sne.s32 s16, $0x0;
	[sflag:s15] =	ssyncset.done @!p0 $0x0  }
0x2b: {  	[sflag:s15] =	ssyncadd.s32 @!p0 $0xFFFFF000  }
0x2c: {  	[spmem:s12], [sflag:s14] =	dma.local @!p0 [hbm:s8], $0x800  }
0x2d: {  	_ =	swait.ge @!p0 [sflag:s15], $0x800  }
0x2e: {  	[sflag:s15] =	ssyncset.done @!p0 $0x0  }
0x2f: {  	[sflag:s15] =	ssyncadd.s32 @!p0 $0xFFFFF800  }
0x30: {  	[tilespmem:s2], [sflag:$0x2] =	stream.linear.gather [hbm4b:s9+s2], $0x200, $0x38;
	[tilespmem:$0x5000] =	vst v63  }
0x31: {  	_ =	swait.ge [sflag:s5], $0x200  }
0x32: {  	[sflag:s5] =	ssyncset.done $0x0  }
0x33: {  	[sflag:s5] =	ssyncadd.s32 $0xFFFFFE00  }
0x34: {  	[bflag:$0x0] =	sbarrier.arrive $0xFFFF  }
0x35: {  	[tilespmem:s10], [sflag:$0x1] =	stream.indirect.gather [spmem:s3], $0x1, s2, s10, $0xb8;
	[tilespmem:$0x5000] =	vst v63  }
0x36: {  	_ =	swait.ge [sflag:s6], $0x200  }
0x37: {  	[sflag:s6] =	ssyncset.done $0x0  }
0x38: {  	[sflag:s6] =	ssyncadd.s32 $0xFFFFFE00  }
0x39: {  	[tilespmem:s7], [sflag:$0x1] =	stream.indirect.gather [spmem:s1], $0x20, s10, s10, $0xb8;
	[tilespmem:$0x5000] =	vst v63  }
0x3a: {  	_ =	swait.ge [sflag:s6], $0x4000  }
.Ltmp2:
0x3b: {  	[sflag:s6] =	ssyncset.done $0x0;
	(pc) =	sbr.rel @p2 .LBB2_2-.Ltmp2, $4  }
0x3c: {  	[sflag:s6] =	ssyncadd.s32 $0xFFFFC000  }
0x3d: {  	[hbm4b:s4+s2] =	stream.linear.scatter [tilespmem:s7], [sflag:$0x2], $0x4000, $0x38;
	[tilespmem:$0x5000] =	vst v63  }
0x3e: {  	_ =	swait.ge [sflag:s5], $0x4000  }
0x3f: {  	[sflag:s5] =	ssyncset.done $0x0  }
.LBB2_3:
0x40: {  	s14 =	simm.s32 @!p0 $0x1C02;
	s15 =	simm.s32 @!p0 $0x2;
	[sflag:s5] =	ssyncadd.s32 @p1 $0xFFFFC000  }
0x41: {  	[spmem:s13], [sflag:s14] =	dma.local @!p0 [hbm:s11], $0x1000  }
0x42: {  	_ =	swait.ge @!p0 [sflag:s15], $0x1000  }
0x43: {  	[sflag:s15] =	ssyncset.done @!p0 $0x0  }
0x44: {  	[sflag:s15] =	ssyncadd.s32 @!p0 $0xFFFFF000  }
0x45: {  	[spmem:s12], [sflag:s14] =	dma.local @!p0 [hbm:s8], $0x800  }
0x46: {  	_ =	swait.ge @!p0 [sflag:s15], $0x800  }
0x47: {  	[sflag:s15] =	ssyncset.done @!p0 $0x0  }
0x48: {  	[sflag:s15] =	ssyncadd.s32 @!p0 $0xFFFFF800  }
0x49: {  	[tilespmem:s2], [sflag:$0x2] =	stream.linear.gather [hbm4b:s9+s2], $0x200, $0x38;
	[tilespmem:$0x5000] =	vst v63  }
0x4a: {  	_ =	swait.ge [sflag:s5], $0x200  }
0x4b: {  	[sflag:s5] =	ssyncset.done $0x0  }
0x4c: {  	[sflag:s5] =	ssyncadd.s32 $0xFFFFFE00  }
0x4d: {  	[bflag:$0x0] =	sbarrier.arrive $0xFFFF  }
0x4e: {  	[tilespmem:s10], [sflag:$0x1] =	stream.indirect.gather [spmem:s3], $0x1, s2, s10, $0xb8;
	[tilespmem:$0x5000] =	vst v63  }
0x4f: {  	_ =	swait.ge [sflag:s6], $0x200  }
0x50: {  	[sflag:s6] =	ssyncset.done $0x0  }
0x51: {  	[sflag:s6] =	ssyncadd.s32 $0xFFFFFE00  }
0x52: {  	[tilespmem:s7], [sflag:$0x1] =	stream.indirect.gather [spmem:s1], $0x20, s10, s10, $0xb8;
	[tilespmem:$0x5000] =	vst v63  }
0x53: {  	_ =	swait.ge [sflag:s6], $0x4000  }
0x54: {  	[sflag:s6] =	ssyncset.done $0x0  }
0x55: {  	[sflag:s6] =	ssyncadd.s32 $0xFFFFC000  }
0x56: {  	[hbm4b:s4+s2] =	stream.linear.scatter [tilespmem:s7], [sflag:$0x2], $0x4000, $0x38;
	[tilespmem:$0x5000] =	vst v63  }
0x57: {  	_ =	swait.ge [sflag:s5], $0x4000  }
0x58: {  	[sflag:s5] =	ssyncset.done $0x0  }
0x59: {  	[sflag:s5] =	ssyncadd.s32 $0xFFFFC000  }
0x5a: {  	_ =	sfence.sel $0x180000  }
0x5b: {  	[bflag:$0x0] =	sbarrier.arrive $0xFFFF  }
0x5c: {  	_ =	strace $0x90000047  }
0x5d: {  	s0 =	sadd.s32 @!p0 $0x100000, s0;
	[bflag:$0x2] =	sbarrier.arrive $0xFFFF  }
0x5e: {  	[sflag:s0] =	ssyncadd.tile.s32 @!p0 $0x1;
	_ =	shalt  }
.Lfunc_end2:
_tile_overlayer_lowered:
.L_overlay_start_2:
0x5f: {  	(tag) =	ssettag $0x2  }
0x60: {  	s0 =	rddreg [dreg:$0x0];
	s2 =	stileid.u32  }
0x61: {  	s1 =	rddreg [dreg:$0x1];
	p0 =	sne.s32 s2, $0x0  }
0x62: {  	s3 =	rddreg [dreg:$0x2];
	[bflag:$0x3] =	sbarrier.arrive $0xFFFF;
	s2 =	simm.s32 @!p0 $0x1C02  }
0x63: {  	[timem:s3], [sflag:s2] =	dma.local @!p0 [hbm:s0], s1  }
0x64: {  	s0 =	simm.s32 @!p0 $0x2  }
0x65: {  	_ =	swait.ge @!p0 [sflag:s0], s1  }
0x66: {  	s1 =	ssub.s32 @!p0 $0x0, s1;
	[sflag:s0] =	ssyncset.done @!p0 $0x0  }
0x67: {  	[sflag:s0] =	ssyncadd.s32 @!p0 s1  }
0x68: {  	[bflag:$0x3] =	sbarrier.arrive $0xFFFF  }
0x69: {  	_ =	shalt  }

</sc_bundles>
